<compile_context>
chip_gen: v7x
topology: tpu7x:2x2x1
jax: 0.10.2.dev20260603
libtpu: 0.0.44.dev20260713+nightly
codegen_flags: <defaults>
</compile_context>

<pallas_src>
import functools

import jax
import jax.numpy as jnp
from jax import lax
from jax.experimental import pallas as pl
from jax.experimental.pallas import tpu as pltpu
from jax.experimental.pallas import tpu_sc as plsc

D = 64
IDX_CHUNK = 112
KP1 = 21
NC = 2
NS = 16
NW = NC * NS
CH = 32


def _dot_kernel(cw_hbm, cat_hbm, ctab_hbm, xtab_hbm, pos_hbm, neg_hbm,
                cidx_v, catidx_v, crow_v, catrow_v,
                pos_v, nout_v, sem, *, b_per_w, n_chunks, n_neg):
    wid = lax.axis_index("s") * NC + lax.axis_index("c")
    base = wid * b_per_w

    def chunk_body(c, carry):
        cs = base + c * CH
        pltpu.sync_copy(cw_hbm.at[pl.ds(cs, CH)], cidx_v)
        pltpu.sync_copy(cat_hbm.at[pl.ds(cs * KP1, CH * KP1)], catidx_v)

        def issue_c(r, carry2):
            v = plsc.load_gather(cidx_v, [jnp.zeros((16,), jnp.int32) + r])
            row = jnp.max(v)
            pltpu.async_copy(ctab_hbm.at[pl.ds(row, 1), :],
                             crow_v.at[pl.ds(r, 1), :], sem)
            return carry2

        lax.fori_loop(0, CH, issue_c, 0)

        def issue_x(r, carry2):
            v = plsc.load_gather(catidx_v, [jnp.zeros((16,), jnp.int32) + r])
            row = jnp.max(v)
            pltpu.async_copy(xtab_hbm.at[pl.ds(row, 1), :],
                             catrow_v.at[pl.ds(r, 1), :], sem)
            return carry2

        lax.fori_loop(0, CH * KP1, issue_x, 0)

        pltpu.make_async_copy(ctab_hbm.at[pl.ds(0, CH), :], crow_v, sem).wait()
        pltpu.make_async_copy(xtab_hbm.at[pl.ds(0, CH * KP1), :], catrow_v,
                              sem).wait()

        lane = lax.broadcasted_iota(jnp.int32, (16,), 0)
        m15 = lane == 15
        colc = [lane + dd * 16 for dd in range(4)]

        def b_body(b, carry2):
            bsplat = jnp.zeros((16,), jnp.int32) + b
            cregs = [plsc.load_gather(crow_v, [bsplat, colc[dd]])
                     for dd in range(4)]
            for j in range(KP1):
                psplat = bsplat * KP1 + j
                t = cregs[0] * plsc.load_gather(catrow_v, [psplat, colc[0]])
                for dd in range(1, 4):
                    t = t + cregs[dd] * plsc.load_gather(
                        catrow_v, [psplat, colc[dd]])
                s = jnp.cumsum(t)
                if j == 0:
                    plsc.store_scatter(pos_v, [bsplat], s, mask=m15)
                else:
                    plsc.store_scatter(nout_v, [bsplat * n_neg + (j - 1)], -s,
                                       mask=m15)
            return carry2

        lax.fori_loop(0, CH, b_body, 0)
        pltpu.sync_copy(pos_v, pos_hbm.at[pl.ds(cs, CH)])
        pltpu.sync_copy(nout_v, neg_hbm.at[pl.ds(cs * n_neg, CH * n_neg)])
        return carry

    lax.fori_loop(0, n_chunks, chunk_body, 0)


@jax.jit
def kernel(center_words, context_words, neg_samples, center_table, context_table):
    B, K = neg_samples.shape
    b_per_w = B // NW
    n_chunks = b_per_w // CH
    cw = center_words.astype(jnp.int32)
    cat = jnp.concatenate(
        [context_words.astype(jnp.int32)[:, None], neg_samples.astype(jnp.int32)],
        axis=1).reshape(B * KP1)

    mesh = plsc.VectorSubcoreMesh(core_axis_name="c", subcore_axis_name="s")
    run = pl.kernel(
        functools.partial(_dot_kernel, b_per_w=b_per_w, n_chunks=n_chunks,
                          n_neg=K),
        out_type=[
            jax.ShapeDtypeStruct((B,), jnp.float32),
            jax.ShapeDtypeStruct((B * K,), jnp.float32),
        ],
        mesh=mesh,
        compiler_params=pltpu.CompilerParams(needs_layout_passes=False),
        scratch_types=[
            pltpu.VMEM((CH,), jnp.int32),
            pltpu.VMEM((CH * KP1,), jnp.int32),
            pltpu.VMEM((CH, D), jnp.float32),
            pltpu.VMEM((CH * KP1, D), jnp.float32),
            pltpu.VMEM((CH,), jnp.float32),
            pltpu.VMEM((CH * K,), jnp.float32),
            pltpu.SemaphoreType.DMA,
        ],
    )
    pos, neg = run(cw, cat, center_table, context_table)
    return pos, neg.reshape(B, K)

# --- scband reference (transcript-rebuilt; emitter-appended) ---
"""Pipeline reference for scband-word2-vec-79482664779833 (READ-ONLY COPY).

The authoritative reference and input builder live on the scoring server;
editing this copy changes nothing except your own understanding.
"""

import jax, jax.numpy as jnp
import numpy as np

VOCAB_SIZE = 1000000
EMBED_DIM = 64
BATCH = 16384
NEG_K = 20

def setup_inputs(seed: int = 0) -> dict:
    key = jax.random.key(seed)
    k1, k2, k3, k4, k5 = jax.random.split(key, 5)
    center_words = jax.random.randint(k1, (BATCH,), 0, VOCAB_SIZE, dtype=jnp.int64 if jax.config.jax_enable_x64 else jnp.int32)
    context_words = jax.random.randint(k2, (BATCH,), 0, VOCAB_SIZE, dtype=jnp.int64 if jax.config.jax_enable_x64 else jnp.int32)
    neg_samples = jax.random.randint(k3, (BATCH, NEG_K), 0, VOCAB_SIZE, dtype=jnp.int64 if jax.config.jax_enable_x64 else jnp.int32)
    # Learned parameters (nn.Embedding default init ~ N(0,1))
    center_table = jax.random.normal(k4, (VOCAB_SIZE, EMBED_DIM), dtype=jnp.float32)
    context_table = jax.random.normal(k5, (VOCAB_SIZE, EMBED_DIM), dtype=jnp.float32)
    return {
        "center_words": center_words,
        "context_words": context_words,
        "neg_samples": neg_samples,
        "center_table": center_table,
        "context_table": context_table,
    }

def reference(center_words, context_words, neg_samples, center_table, context_table):
    # center_embeds = self.center_embeddings(center_words)   -> [B, D]
    center_embeds = jnp.take(center_table, center_words, axis=0)
    # context_embeds = self.context_embeddings(context_words) -> [B, D]
    context_embeds = jnp.take(context_table, context_words, axis=0)
    # neg_embeds = self.context_embeddings(neg_samples)       -> [B, K, D]
    neg_embeds = jnp.take(context_table, neg_samples, axis=0)
    # pos_scores = bmm(context[B,1,D], center[B,D,1]).squeeze() -> [B]
    pos_scores = jnp.einsum('bd,bd->b', context_embeds, center_embeds)
    # neg_scores = bmm(neg_embeds.neg() [B,K,D], center[B,D,1]).squeeze() -> [B,K]
    neg_scores = jnp.einsum('bkd,bd->bk', -neg_embeds, center_embeds)
    return (pos_scores, neg_scores)

if __name__ == "__main__":
    import jax
    _d = setup_inputs()
    print(jax.jit(kernel)(*tuple(_d.values())))

</pallas_src>

<mosaic_0001>
#map = affine_map<(d0, d1) -> (0)>
#map1 = affine_map<(d0, d1) -> (0, 0)>
module attributes {stable_mosaic.version = 14 : i64} {
  func.func @_dot_kernel(%arg0: i32, %arg1: i32, %arg2: memref<16384xi32, #tpu.memory_space<hbm>>, %arg3: memref<344064xi32, #tpu.memory_space<hbm>>, %arg4: memref<1000000x64xf32, #tpu.memory_space<hbm>>, %arg5: memref<1000000x64xf32, #tpu.memory_space<hbm>>, %arg6: memref<16384xf32, #tpu.memory_space<hbm>>, %arg7: memref<327680xf32, #tpu.memory_space<hbm>>, %arg8: memref<32xi32, #tpu.memory_space<vmem>>, %arg9: memref<672xi32, #tpu.memory_space<vmem>>, %arg10: memref<32x64xf32, #tpu.memory_space<vmem>>, %arg11: memref<672x64xf32, #tpu.memory_space<vmem>>, %arg12: memref<32xf32, #tpu.memory_space<vmem>>, %arg13: memref<640xf32, #tpu.memory_space<vmem>>, %arg14: memref<!tpu.dma_semaphore, #tpu.memory_space<semaphore_mem>>) attributes {dimension_semantics = [#tpu.dimension_semantics<core_parallel>, #tpu.dimension_semantics<subcore_parallel>], iteration_bounds = array<i64: 2, 16>, scalar_prefetch = 0 : i64, scratch_operands = 7 : i64, tpu.core_type = #tpu.core_type<sc_vector_subcore>, window_params = [{transform_indices = #map}, {transform_indices = #map}, {transform_indices = #map1}, {transform_indices = #map1}, {transform_indices = #map}, {transform_indices = #map}]} {
    %mul3A = arith.constant 2 : i32
    %mul3A_0 = arith.muli %arg1, %mul3A : i32
    %add3A = arith.addi %mul3A_0, %arg0 : i32
    %mul3A_1 = arith.constant 512 : i32
    %mul3A_2 = arith.muli %add3A, %mul3A_1 : i32
    %scan3A = arith.constant 0 : i32
    %scan3A_3 = arith.constant 0 : i32
    %scan3A_4 = arith.constant 16 : i32
    %scan3A_5 = arith.addi %scan3A_3, %scan3A_4 : i32
    %scan3A_6 = arith.constant 1 : i32
    scf.for %scan3A_8 = %scan3A_3 to %scan3A_5 step %scan3A_6  : i32 {
      %mul3A_9 = arith.constant 32 : i32
      %mul3A_10 = arith.muli %scan3A_8, %mul3A_9 : i32
      %add3A_11 = arith.addi %mul3A_2, %mul3A_10 : i32
      "tpu.region"() ({
        %run_scoped3A = tpu.sem_alloc : memref<!tpu.dma_semaphore, #tpu.memory_space<semaphore_mem>>
        %dma_start3A = tpu.memref_slice %arg2[%add3A_11] : memref<16384xi32, #tpu.memory_space<hbm>> -> memref<32xi32, #tpu.memory_space<hbm>>
        %dma_start3A_59 = tpu.memref_slice %arg2[%add3A_11] : memref<16384xi32, #tpu.memory_space<hbm>> -> memref<32xi32, #tpu.memory_space<hbm>>
        tpu.enqueue_dma source(%dma_start3A_59 : memref<32xi32, #tpu.memory_space<hbm>>) target(%arg8 : memref<32xi32, #tpu.memory_space<vmem>>) target_semaphore(%run_scoped3A : memref<!tpu.dma_semaphore, #tpu.memory_space<semaphore_mem>>)
        %dma_wait3A_60 = tpu.memref_slice %arg2[%add3A_11] : memref<16384xi32, #tpu.memory_space<hbm>> -> memref<32xi32, #tpu.memory_space<hbm>>
        %dma_wait3A_61 = tpu.memref_slice %arg2[%add3A_11] : memref<16384xi32, #tpu.memory_space<hbm>> -> memref<32xi32, #tpu.memory_space<hbm>>
        tpu.wait_dma2 semaphore(%run_scoped3A : memref<!tpu.dma_semaphore, #tpu.memory_space<semaphore_mem>>) src(%dma_wait3A_61 : memref<32xi32, #tpu.memory_space<hbm>>) dst(%arg8 : memref<32xi32, #tpu.memory_space<vmem>>)
        tpu.yield
      }) : () -> ()
      %mul3A_12 = arith.constant 21 : i32
      %mul3A_13 = arith.muli %add3A_11, %mul3A_12 : i32
      "tpu.region"() ({
        %run_scoped3A = tpu.sem_alloc : memref<!tpu.dma_semaphore, #tpu.memory_space<semaphore_mem>>
        %dma_start3A = tpu.memref_slice %arg3[%mul3A_13] : memref<344064xi32, #tpu.memory_space<hbm>> -> memref<672xi32, #tpu.memory_space<hbm>>
        %dma_start3A_59 = tpu.memref_slice %arg3[%mul3A_13] : memref<344064xi32, #tpu.memory_space<hbm>> -> memref<672xi32, #tpu.memory_space<hbm>>
        tpu.enqueue_dma source(%dma_start3A_59 : memref<672xi32, #tpu.memory_space<hbm>>) target(%arg9 : memref<672xi32, #tpu.memory_space<vmem>>) target_semaphore(%run_scoped3A : memref<!tpu.dma_semaphore, #tpu.memory_space<semaphore_mem>>)
        %dma_wait3A_60 = tpu.memref_slice %arg3[%mul3A_13] : memref<344064xi32, #tpu.memory_space<hbm>> -> memref<672xi32, #tpu.memory_space<hbm>>
        %dma_wait3A_61 = tpu.memref_slice %arg3[%mul3A_13] : memref<344064xi32, #tpu.memory_space<hbm>> -> memref<672xi32, #tpu.memory_space<hbm>>
        tpu.wait_dma2 semaphore(%run_scoped3A : memref<!tpu.dma_semaphore, #tpu.memory_space<semaphore_mem>>) src(%dma_wait3A_61 : memref<672xi32, #tpu.memory_space<hbm>>) dst(%arg9 : memref<672xi32, #tpu.memory_space<vmem>>)
        tpu.yield
      }) : () -> ()
      %scan3A_14 = arith.constant 0 : i32
      %scan3A_15 = arith.constant 0 : i32
      %scan3A_16 = arith.constant 32 : i32
      %scan3A_17 = arith.addi %scan3A_15, %scan3A_16 : i32
      %scan3A_18 = arith.constant 1 : i32
      scf.for %scan3A_59 = %scan3A_15 to %scan3A_17 step %scan3A_18  : i32 {
        %broadcast_in_dim3A = arith.constant 0 : i32
        %broadcast_in_dim3A_60 = vector.broadcast %broadcast_in_dim3A : i32 to vector<16xi32>
        %add3A_61 = vector.broadcast %scan3A_59 : i32 to vector<16xi32>
        %add3A_62 = arith.addi %broadcast_in_dim3A_60, %add3A_61 : vector<16xi32>
        %gather3A = tpu.vector_load_idx %arg8[%add3A_62] : memref<32xi32, #tpu.memory_space<vmem>>[vector<16xi32>], vector<16xi32>,
        %reduce_max3A = arith.constant true
        %reduce_max3A_63 = vector.broadcast %reduce_max3A : i1 to vector<16xi1>
        %reduce_max3A_64 = arith.constant -2147483648 : i32
        %reduce_max3A_65 = vector.broadcast %reduce_max3A_64 : i32 to vector<16xi32>
        %reduce_max3A_66 = arith.xori %gather3A, %reduce_max3A_65 : vector<16xi32>
        %reduce_max3A_67 = tpu.scan <max>, %reduce_max3A_66 masked %reduce_max3A_63 : vector<16xi32>, vector<16xi1> -> vector<16xi32>
        %reduce_max3A_68 = arith.xori %reduce_max3A_67, %reduce_max3A_65 : vector<16xi32>
        %reduce_max3A_69 = vector.extract %reduce_max3A_68[15] : i32 from vector<16xi32>
        %dma_start3A = arith.constant 0 : i32
        %dma_start3A_70 = tpu.memref_slice %arg10[%scan3A_59, %dma_start3A] : memref<32x64xf32, #tpu.memory_space<vmem>> -> memref<1x64xf32, #tpu.memory_space<vmem>>
        %dma_start3A_71 = arith.constant 0 : i32
        %dma_start3A_72 = tpu.memref_slice %arg4[%reduce_max3A_69, %dma_start3A_71] : memref<1000000x64xf32, #tpu.memory_space<hbm>> -> memref<1x64xf32, #tpu.memory_space<hbm>>
        %dma_start3A_73 = arith.constant 0 : i32
        %dma_start3A_74 = tpu.memref_slice %arg10[%scan3A_59, %dma_start3A_73] : memref<32x64xf32, #tpu.memory_space<vmem>> -> memref<1x64xf32, #tpu.memory_space<vmem>>
        %dma_start3A_75 = arith.constant 0 : i32
        %dma_start3A_76 = tpu.memref_slice %arg4[%reduce_max3A_69, %dma_start3A_75] : memref<1000000x64xf32, #tpu.memory_space<hbm>> -> memref<1x64xf32, #tpu.memory_space<hbm>>
        tpu.enqueue_dma source(%dma_start3A_76 : memref<1x64xf32, #tpu.memory_space<hbm>>) target(%dma_start3A_74 : memref<1x64xf32, #tpu.memory_space<vmem>>) target_semaphore(%arg14 : memref<!tpu.dma_semaphore, #tpu.memory_space<semaphore_mem>>)
      }
      %scan3A_19 = arith.constant 32 : i32
      %scan3A_20 = arith.constant 0 : i32
      %scan3A_21 = arith.constant 0 : i32
      %scan3A_22 = arith.constant 672 : i32
      %scan3A_23 = arith.addi %scan3A_21, %scan3A_22 : i32
      %scan3A_24 = arith.constant 1 : i32
      scf.for %scan3A_59 = %scan3A_21 to %scan3A_23 step %scan3A_24  : i32 {
        %broadcast_in_dim3A = arith.constant 0 : i32
        %broadcast_in_dim3A_60 = vector.broadcast %broadcast_in_dim3A : i32 to vector<16xi32>
        %add3A_61 = vector.broadcast %scan3A_59 : i32 to vector<16xi32>
        %add3A_62 = arith.addi %broadcast_in_dim3A_60, %add3A_61 : vector<16xi32>
        %gather3A = tpu.vector_load_idx %arg9[%add3A_62] : memref<672xi32, #tpu.memory_space<vmem>>[vector<16xi32>], vector<16xi32>,
        %reduce_max3A = arith.constant true
        %reduce_max3A_63 = vector.broadcast %reduce_max3A : i1 to vector<16xi1>
        %reduce_max3A_64 = arith.constant -2147483648 : i32
        %reduce_max3A_65 = vector.broadcast %reduce_max3A_64 : i32 to vector<16xi32>
        %reduce_max3A_66 = arith.xori %gather3A, %reduce_max3A_65 : vector<16xi32>
        %reduce_max3A_67 = tpu.scan <max>, %reduce_max3A_66 masked %reduce_max3A_63 : vector<16xi32>, vector<16xi1> -> vector<16xi32>
        %reduce_max3A_68 = arith.xori %reduce_max3A_67, %reduce_max3A_65 : vector<16xi32>
        %reduce_max3A_69 = vector.extract %reduce_max3A_68[15] : i32 from vector<16xi32>
        %dma_start3A = arith.constant 0 : i32
        %dma_start3A_70 = tpu.memref_slice %arg11[%scan3A_59, %dma_start3A] : memref<672x64xf32, #tpu.memory_space<vmem>> -> memref<1x64xf32, #tpu.memory_space<vmem>>
        %dma_start3A_71 = arith.constant 0 : i32
        %dma_start3A_72 = tpu.memref_slice %arg5[%reduce_max3A_69, %dma_start3A_71] : memref<1000000x64xf32, #tpu.memory_space<hbm>> -> memref<1x64xf32, #tpu.memory_space<hbm>>
        %dma_start3A_73 = arith.constant 0 : i32
        %dma_start3A_74 = tpu.memref_slice %arg11[%scan3A_59, %dma_start3A_73] : memref<672x64xf32, #tpu.memory_space<vmem>> -> memref<1x64xf32, #tpu.memory_space<vmem>>
        %dma_start3A_75 = arith.constant 0 : i32
        %dma_start3A_76 = tpu.memref_slice %arg5[%reduce_max3A_69, %dma_start3A_75] : memref<1000000x64xf32, #tpu.memory_space<hbm>> -> memref<1x64xf32, #tpu.memory_space<hbm>>
        tpu.enqueue_dma source(%dma_start3A_76 : memref<1x64xf32, #tpu.memory_space<hbm>>) target(%dma_start3A_74 : memref<1x64xf32, #tpu.memory_space<vmem>>) target_semaphore(%arg14 : memref<!tpu.dma_semaphore, #tpu.memory_space<semaphore_mem>>)
      }
      %scan3A_25 = arith.constant 672 : i32
      %dma_wait3A = arith.constant 0 : i32
      %dma_wait3A_26 = arith.constant 0 : i32
      %dma_wait3A_27 = tpu.memref_slice %arg4[%dma_wait3A, %dma_wait3A_26] : memref<1000000x64xf32, #tpu.memory_space<hbm>> -> memref<32x64xf32, #tpu.memory_space<hbm>>
      %dma_wait3A_28 = arith.constant 0 : i32
      %dma_wait3A_29 = arith.constant 0 : i32
      %dma_wait3A_30 = tpu.memref_slice %arg4[%dma_wait3A_28, %dma_wait3A_29] : memref<1000000x64xf32, #tpu.memory_space<hbm>> -> memref<32x64xf32, #tpu.memory_space<hbm>>
      tpu.wait_dma2 semaphore(%arg14 : memref<!tpu.dma_semaphore, #tpu.memory_space<semaphore_mem>>) src(%dma_wait3A_30 : memref<32x64xf32, #tpu.memory_space<hbm>>) dst(%arg10 : memref<32x64xf32, #tpu.memory_space<vmem>>)
      %dma_wait3A_31 = arith.constant 0 : i32
      %dma_wait3A_32 = arith.constant 0 : i32
      %dma_wait3A_33 = tpu.memref_slice %arg5[%dma_wait3A_31, %dma_wait3A_32] : memref<1000000x64xf32, #tpu.memory_space<hbm>> -> memref<672x64xf32, #tpu.memory_space<hbm>>
      %dma_wait3A_34 = arith.constant 0 : i32
      %dma_wait3A_35 = arith.constant 0 : i32
      %dma_wait3A_36 = tpu.memref_slice %arg5[%dma_wait3A_34, %dma_wait3A_35] : memref<1000000x64xf32, #tpu.memory_space<hbm>> -> memref<672x64xf32, #tpu.memory_space<hbm>>
      tpu.wait_dma2 semaphore(%arg14 : memref<!tpu.dma_semaphore, #tpu.memory_space<semaphore_mem>>) src(%dma_wait3A_36 : memref<672x64xf32, #tpu.memory_space<hbm>>) dst(%arg11 : memref<672x64xf32, #tpu.memory_space<vmem>>)
      %iota3A = tpu.iota {dimensions = array<i32: 0>} : vector<16xi32>
      %eq3A = arith.constant 15 : i32
      %eq3A_37 = vector.broadcast %eq3A : i32 to vector<16xi32>
      %eq3A_38 = arith.cmpi eq, %iota3A, %eq3A_37 : vector<16xi32>
      %add3A_39 = arith.constant 0 : i32
      %add3A_40 = vector.broadcast %add3A_39 : i32 to vector<16xi32>
      %add3A_41 = arith.addi %iota3A, %add3A_40 : vector<16xi32>
      %add3A_42 = arith.constant 16 : i32
      %add3A_43 = vector.broadcast %add3A_42 : i32 to vector<16xi32>
      %add3A_44 = arith.addi %iota3A, %add3A_43 : vector<16xi32>
      %add3A_45 = arith.constant 32 : i32
      %add3A_46 = vector.broadcast %add3A_45 : i32 to vector<16xi32>
      %add3A_47 = arith.addi %iota3A, %add3A_46 : vector<16xi32>
      %add3A_48 = arith.constant 48 : i32
      %add3A_49 = vector.broadcast %add3A_48 : i32 to vector<16xi32>
      %add3A_50 = arith.addi %iota3A, %add3A_49 : vector<16xi32>
      %scan3A_51 = arith.constant 0 : i32
      %scan3A_52 = arith.constant 0 : i32
      %scan3A_53 = arith.constant 32 : i32
      %scan3A_54 = arith.addi %scan3A_52, %scan3A_53 : i32
      %scan3A_55 = arith.constant 1 : i32
      scf.for %scan3A_59 = %scan3A_52 to %scan3A_54 step %scan3A_55  : i32 {
        %broadcast_in_dim3A = arith.constant 0 : i32
        %broadcast_in_dim3A_60 = vector.broadcast %broadcast_in_dim3A : i32 to vector<16xi32>
        %add3A_61 = vector.broadcast %scan3A_59 : i32 to vector<16xi32>
        %add3A_62 = arith.addi %broadcast_in_dim3A_60, %add3A_61 : vector<16xi32>
        %gather3A = tpu.vector_load_idx %arg10[%add3A_62, %add3A_41] : memref<32x64xf32, #tpu.memory_space<vmem>>[vector<16xi32>, vector<16xi32>], vector<16xf32>,
        %gather3A_63 = tpu.vector_load_idx %arg10[%add3A_62, %add3A_44] : memref<32x64xf32, #tpu.memory_space<vmem>>[vector<16xi32>, vector<16xi32>], vector<16xf32>,
        %gather3A_64 = tpu.vector_load_idx %arg10[%add3A_62, %add3A_47] : memref<32x64xf32, #tpu.memory_space<vmem>>[vector<16xi32>, vector<16xi32>], vector<16xf32>,
        %gather3A_65 = tpu.vector_load_idx %arg10[%add3A_62, %add3A_50] : memref<32x64xf32, #tpu.memory_space<vmem>>[vector<16xi32>, vector<16xi32>], vector<16xf32>,
        %mul3A_66 = arith.constant 21 : i32
        %mul3A_67 = vector.broadcast %mul3A_66 : i32 to vector<16xi32>
        %mul3A_68 = arith.muli %add3A_62, %mul3A_67 : vector<16xi32>
        %add3A_69 = arith.constant 0 : i32
        %add3A_70 = vector.broadcast %add3A_69 : i32 to vector<16xi32>
        %add3A_71 = arith.addi %mul3A_68, %add3A_70 : vector<16xi32>
        %gather3A_72 = tpu.vector_load_idx %arg11[%add3A_71, %add3A_41] : memref<672x64xf32, #tpu.memory_space<vmem>>[vector<16xi32>, vector<16xi32>], vector<16xf32>,
        %mul3A_73 = arith.mulf %gather3A, %gather3A_72 : vector<16xf32>
        %gather3A_74 = tpu.vector_load_idx %arg11[%add3A_71, %add3A_44] : memref<672x64xf32, #tpu.memory_space<vmem>>[vector<16xi32>, vector<16xi32>], vector<16xf32>,
        %mul3A_75 = arith.mulf %gather3A_63, %gather3A_74 : vector<16xf32>
        %add3A_76 = arith.addf %mul3A_73, %mul3A_75 : vector<16xf32>
        %gather3A_77 = tpu.vector_load_idx %arg11[%add3A_71, %add3A_47] : memref<672x64xf32, #tpu.memory_space<vmem>>[vector<16xi32>, vector<16xi32>], vector<16xf32>,
        %mul3A_78 = arith.mulf %gather3A_64, %gather3A_77 : vector<16xf32>
        %add3A_79 = arith.addf %add3A_76, %mul3A_78 : vector<16xf32>
        %gather3A_80 = tpu.vector_load_idx %arg11[%add3A_71, %add3A_50] : memref<672x64xf32, #tpu.memory_space<vmem>>[vector<16xi32>, vector<16xi32>], vector<16xf32>,
        %mul3A_81 = arith.mulf %gather3A_65, %gather3A_80 : vector<16xf32>
        %add3A_82 = arith.addf %add3A_79, %mul3A_81 : vector<16xf32>
        %cumsum3A = arith.constant true
        %cumsum3A_83 = vector.broadcast %cumsum3A : i1 to vector<16xi1>
        %cumsum3A_84 = tpu.scan <sum>, %add3A_82 masked %cumsum3A_83 : vector<16xf32>, vector<16xi1> -> vector<16xf32>
        tpu.vector_store_idx %arg12[%add3A_62], %cumsum3A_84 masked %eq3A_38 : memref<32xf32, #tpu.memory_space<vmem>>[vector<16xi32>], vector<16xf32>, vector<16xi1>
        %mul3A_85 = arith.constant 21 : i32
        %mul3A_86 = vector.broadcast %mul3A_85 : i32 to vector<16xi32>
        %mul3A_87 = arith.muli %add3A_62, %mul3A_86 : vector<16xi32>
        %add3A_88 = arith.constant 1 : i32
        %add3A_89 = vector.broadcast %add3A_88 : i32 to vector<16xi32>
        %add3A_90 = arith.addi %mul3A_87, %add3A_89 : vector<16xi32>
        %gather3A_91 = tpu.vector_load_idx %arg11[%add3A_90, %add3A_41] : memref<672x64xf32, #tpu.memory_space<vmem>>[vector<16xi32>, vector<16xi32>], vector<16xf32>,
        %mul3A_92 = arith.mulf %gather3A, %gather3A_91 : vector<16xf32>
        %gather3A_93 = tpu.vector_load_idx %arg11[%add3A_90, %add3A_44] : memref<672x64xf32, #tpu.memory_space<vmem>>[vector<16xi32>, vector<16xi32>], vector<16xf32>,
        %mul3A_94 = arith.mulf %gather3A_63, %gather3A_93 : vector<16xf32>
        %add3A_95 = arith.addf %mul3A_92, %mul3A_94 : vector<16xf32>
        %gather3A_96 = tpu.vector_load_idx %arg11[%add3A_90, %add3A_47] : memref<672x64xf32, #tpu.memory_space<vmem>>[vector<16xi32>, vector<16xi32>], vector<16xf32>,
        %mul3A_97 = arith.mulf %gather3A_64, %gather3A_96 : vector<16xf32>
        %add3A_98 = arith.addf %add3A_95, %mul3A_97 : vector<16xf32>
        %gather3A_99 = tpu.vector_load_idx %arg11[%add3A_90, %add3A_50] : memref<672x64xf32, #tpu.memory_space<vmem>>[vector<16xi32>, vector<16xi32>], vector<16xf32>,
        %mul3A_100 = arith.mulf %gather3A_65, %gather3A_99 : vector<16xf32>
        %add3A_101 = arith.addf %add3A_98, %mul3A_100 : vector<16xf32>
        %cumsum3A_102 = arith.constant true
        %cumsum3A_103 = vector.broadcast %cumsum3A_102 : i1 to vector<16xi1>
        %cumsum3A_104 = tpu.scan <sum>, %add3A_101 masked %cumsum3A_103 : vector<16xf32>, vector<16xi1> -> vector<16xf32>
        %mul3A_105 = arith.constant 20 : i32
        %mul3A_106 = vector.broadcast %mul3A_105 : i32 to vector<16xi32>
        %mul3A_107 = arith.muli %add3A_62, %mul3A_106 : vector<16xi32>
        %add3A_108 = arith.constant 0 : i32
        %add3A_109 = vector.broadcast %add3A_108 : i32 to vector<16xi32>
        %add3A_110 = arith.addi %mul3A_107, %add3A_109 : vector<16xi32>
        %neg3A = arith.constant 0.000000e+00 : f32
        %neg3A_111 = vector.broadcast %neg3A : f32 to vector<16xf32>
        %neg3A_112 = arith.subf %neg3A_111, %cumsum3A_104 : vector<16xf32>
        tpu.vector_store_idx %arg13[%add3A_110], %neg3A_112 masked %eq3A_38 : memref<640xf32, #tpu.memory_space<vmem>>[vector<16xi32>], vector<16xf32>, vector<16xi1>
        %mul3A_113 = arith.constant 21 : i32
        %mul3A_114 = vector.broadcast %mul3A_113 : i32 to vector<16xi32>
        %mul3A_115 = arith.muli %add3A_62, %mul3A_114 : vector<16xi32>
        %add3A_116 = arith.constant 2 : i32
        %add3A_117 = vector.broadcast %add3A_116 : i32 to vector<16xi32>
        %add3A_118 = arith.addi %mul3A_115, %add3A_117 : vector<16xi32>
        %gather3A_119 = tpu.vector_load_idx %arg11[%add3A_118, %add3A_41] : memref<672x64xf32, #tpu.memory_space<vmem>>[vector<16xi32>, vector<16xi32>], vector<16xf32>,
        %mul3A_120 = arith.mulf %gather3A, %gather3A_119 : vector<16xf32>
        %gather3A_121 = tpu.vector_load_idx %arg11[%add3A_118, %add3A_44] : memref<672x64xf32, #tpu.memory_space<vmem>>[vector<16xi32>, vector<16xi32>], vector<16xf32>,
        %mul3A_122 = arith.mulf %gather3A_63, %gather3A_121 : vector<16xf32>
        %add3A_123 = arith.addf %mul3A_120, %mul3A_122 : vector<16xf32>
        %gather3A_124 = tpu.vector_load_idx %arg11[%add3A_118, %add3A_47] : memref<672x64xf32, #tpu.memory_space<vmem>>[vector<16xi32>, vector<16xi32>], vector<16xf32>,
        %mul3A_125 = arith.mulf %gather3A_64, %gather3A_124 : vector<16xf32>
        %add3A_126 = arith.addf %add3A_123, %mul3A_125 : vector<16xf32>
        %gather3A_127 = tpu.vector_load_idx %arg11[%add3A_118, %add3A_50] : memref<672x64xf32, #tpu.memory_space<vmem>>[vector<16xi32>, vector<16xi32>], vector<16xf32>,
        %mul3A_128 = arith.mulf %gather3A_65, %gather3A_127 : vector<16xf32>
        %add3A_129 = arith.addf %add3A_126, %mul3A_128 : vector<16xf32>
        %cumsum3A_130 = arith.constant true
        %cumsum3A_131 = vector.broadcast %cumsum3A_130 : i1 to vector<16xi1>
        %cumsum3A_132 = tpu.scan <sum>, %add3A_129 masked %cumsum3A_131 : vector<16xf32>, vector<16xi1> -> vector<16xf32>
        %mul3A_133 = arith.constant 20 : i32
        %mul3A_134 = vector.broadcast %mul3A_133 : i32 to vector<16xi32>
        %mul3A_135 = arith.muli %add3A_62, %mul3A_134 : vector<16xi32>
        %add3A_136 = arith.constant 1 : i32
        %add3A_137 = vector.broadcast %add3A_136 : i32 to vector<16xi32>
        %add3A_138 = arith.addi %mul3A_135, %add3A_137 : vector<16xi32>
        %neg3A_139 = arith.constant 0.000000e+00 : f32
        %neg3A_140 = vector.broadcast %neg3A_139 : f32 to vector<16xf32>
        %neg3A_141 = arith.subf %neg3A_140, %cumsum3A_132 : vector<16xf32>
        tpu.vector_store_idx %arg13[%add3A_138], %neg3A_141 masked %eq3A_38 : memref<640xf32, #tpu.memory_space<vmem>>[vector<16xi32>], vector<16xf32>, vector<16xi1>
        %mul3A_142 = arith.constant 21 : i32
        %mul3A_143 = vector.broadcast %mul3A_142 : i32 to vector<16xi32>
        %mul3A_144 = arith.muli %add3A_62, %mul3A_143 : vector<16xi32>
        %add3A_145 = arith.constant 3 : i32
        %add3A_146 = vector.broadcast %add3A_145 : i32 to vector<16xi32>
        %add3A_147 = arith.addi %mul3A_144, %add3A_146 : vector<16xi32>
        %gather3A_148 = tpu.vector_load_idx %arg11[%add3A_147, %add3A_41] : memref<672x64xf32, #tpu.memory_space<vmem>>[vector<16xi32>, vector<16xi32>], vector<16xf32>,
        %mul3A_149 = arith.mulf %gather3A, %gather3A_148 : vector<16xf32>
        %gather3A_150 = tpu.vector_load_idx %arg11[%add3A_147, %add3A_44] : memref<672x64xf32, #tpu.memory_space<vmem>>[vector<16xi32>, vector<16xi32>], vector<16xf32>,
        %mul3A_151 = arith.mulf %gather3A_63, %gather3A_150 : vector<16xf32>
        %add3A_152 = arith.addf %mul3A_149, %mul3A_151 : vector<16xf32>
        %gather3A_153 = tpu.vector_load_idx %arg11[%add3A_147, %add3A_47] : memref<672x64xf32, #tpu.memory_space<vmem>>[vector<16xi32>, vector<16xi32>], vector<16xf32>,
        %mul3A_154 = arith.mulf %gather3A_64, %gather3A_153 : vector<16xf32>
        %add3A_155 = arith.addf %add3A_152, %mul3A_154 : vector<16xf32>
        %gather3A_156 = tpu.vector_load_idx %arg11[%add3A_147, %add3A_50] : memref<672x64xf32, #tpu.memory_space<vmem>>[vector<16xi32>, vector<16xi32>], vector<16xf32>,
        %mul3A_157 = arith.mulf %gather3A_65, %gather3A_156 : vector<16xf32>
        %add3A_158 = arith.addf %add3A_155, %mul3A_157 : vector<16xf32>
        %cumsum3A_159 = arith.constant true
        %cumsum3A_160 = vector.broadcast %cumsum3A_159 : i1 to vector<16xi1>
        %cumsum3A_161 = tpu.scan <sum>, %add3A_158 masked %cumsum3A_160 : vector<16xf32>, vector<16xi1> -> vector<16xf32>
        %mul3A_162 = arith.constant 20 : i32
        %mul3A_163 = vector.broadcast %mul3A_162 : i32 to vector<16xi32>
        %mul3A_164 = arith.muli %add3A_62, %mul3A_163 : vector<16xi32>
        %add3A_165 = arith.constant 2 : i32
        %add3A_166 = vector.broadcast %add3A_165 : i32 to vector<16xi32>
        %add3A_167 = arith.addi %mul3A_164, %add3A_166 : vector<16xi32>
        %neg3A_168 = arith.constant 0.000000e+00 : f32
        %neg3A_169 = vector.broadcast %neg3A_168 : f32 to vector<16xf32>
        %neg3A_170 = arith.subf %neg3A_169, %cumsum3A_161 : vector<16xf32>
        tpu.vector_store_idx %arg13[%add3A_167], %neg3A_170 masked %eq3A_38 : memref<640xf32, #tpu.memory_space<vmem>>[vector<16xi32>], vector<16xf32>, vector<16xi1>
        %mul3A_171 = arith.constant 21 : i32
        %mul3A_172 = vector.broadcast %mul3A_171 : i32 to vector<16xi32>
        %mul3A_173 = arith.muli %add3A_62, %mul3A_172 : vector<16xi32>
        %add3A_174 = arith.constant 4 : i32
        %add3A_175 = vector.broadcast %add3A_174 : i32 to vector<16xi32>
        %add3A_176 = arith.addi %mul3A_173, %add3A_175 : vector<16xi32>
        %gather3A_177 = tpu.vector_load_idx %arg11[%add3A_176, %add3A_41] : memref<672x64xf32, #tpu.memory_space<vmem>>[vector<16xi32>, vector<16xi32>], vector<16xf32>,
        %mul3A_178 = arith.mulf %gather3A, %gather3A_177 : vector<16xf32>
        %gather3A_179 = tpu.vector_load_idx %arg11[%add3A_176, %add3A_44] : memref<672x64xf32, #tpu.memory_space<vmem>>[vector<16xi32>, vector<16xi32>], vector<16xf32>,
        %mul3A_180 = arith.mulf %gather3A_63, %gather3A_179 : vector<16xf32>
        %add3A_181 = arith.addf %mul3A_178, %mul3A_180 : vector<16xf32>
        %gather3A_182 = tpu.vector_load_idx %arg11[%add3A_176, %add3A_47] : memref<672x64xf32, #tpu.memory_space<vmem>>[vector<16xi32>, vector<16xi32>], vector<16xf32>,
        %mul3A_183 = arith.mulf %gather3A_64, %gather3A_182 : vector<16xf32>
        %add3A_184 = arith.addf %add3A_181, %mul3A_183 : vector<16xf32>
        %gather3A_185 = tpu.vector_load_idx %arg11[%add3A_176, %add3A_50] : memref<672x64xf32, #tpu.memory_space<vmem>>[vector<16xi32>, vector<16xi32>], vector<16xf32>,
        %mul3A_186 = arith.mulf %gather3A_65, %gather3A_185 : vector<16xf32>
        %add3A_187 = arith.addf %add3A_184, %mul3A_186 : vector<16xf32>
        %cumsum3A_188 = arith.constant true
        %cumsum3A_189 = vector.broadcast %cumsum3A_188 : i1 to vector<16xi1>
        %cumsum3A_190 = tpu.scan <sum>, %add3A_187 masked %cumsum3A_189 : vector<16xf32>, vector<16xi1> -> vector<16xf32>
        %mul3A_191 = arith.constant 20 : i32
        %mul3A_192 = vector.broadcast %mul3A_191 : i32 to vector<16xi32>
        %mul3A_193 = arith.muli %add3A_62, %mul3A_192 : vector<16xi32>
        %add3A_194 = arith.constant 3 : i32
        %add3A_195 = vector.broadcast %add3A_194 : i32 to vector<16xi32>
        %add3A_196 = arith.addi %mul3A_193, %add3A_195 : vector<16xi32>
        %neg3A_197 = arith.constant 0.000000e+00 : f32
        %neg3A_198 = vector.broadcast %neg3A_197 : f32 to vector<16xf32>
        %neg3A_199 = arith.subf %neg3A_198, %cumsum3A_190 : vector<16xf32>
        tpu.vector_store_idx %arg13[%add3A_196], %neg3A_199 masked %eq3A_38 : memref<640xf32, #tpu.memory_space<vmem>>[vector<16xi32>], vector<16xf32>, vector<16xi1>
        %mul3A_200 = arith.constant 21 : i32
        %mul3A_201 = vector.broadcast %mul3A_200 : i32 to vector<16xi32>
        %mul3A_202 = arith.muli %add3A_62, %mul3A_201 : vector<16xi32>
        %add3A_203 = arith.constant 5 : i32
        %add3A_204 = vector.broadcast %add3A_203 : i32 to vector<16xi32>
        %add3A_205 = arith.addi %mul3A_202, %add3A_204 : vector<16xi32>
        %gather3A_206 = tpu.vector_load_idx %arg11[%add3A_205, %add3A_41] : memref<672x64xf32, #tpu.memory_space<vmem>>[vector<16xi32>, vector<16xi32>], vector<16xf32>,
        %mul3A_207 = arith.mulf %gather3A, %gather3A_206 : vector<16xf32>
        %gather3A_208 = tpu.vector_load_idx %arg11[%add3A_205, %add3A_44] : memref<672x64xf32, #tpu.memory_space<vmem>>[vector<16xi32>, vector<16xi32>], vector<16xf32>,
        %mul3A_209 = arith.mulf %gather3A_63, %gather3A_208 : vector<16xf32>
        %add3A_210 = arith.addf %mul3A_207, %mul3A_209 : vector<16xf32>
        %gather3A_211 = tpu.vector_load_idx %arg11[%add3A_205, %add3A_47] : memref<672x64xf32, #tpu.memory_space<vmem>>[vector<16xi32>, vector<16xi32>], vector<16xf32>,
        %mul3A_212 = arith.mulf %gather3A_64, %gather3A_211 : vector<16xf32>
        %add3A_213 = arith.addf %add3A_210, %mul3A_212 : vector<16xf32>
        %gather3A_214 = tpu.vector_load_idx %arg11[%add3A_205, %add3A_50] : memref<672x64xf32, #tpu.memory_space<vmem>>[vector<16xi32>, vector<16xi32>], vector<16xf32>,
        %mul3A_215 = arith.mulf %gather3A_65, %gather3A_214 : vector<16xf32>
        %add3A_216 = arith.addf %add3A_213, %mul3A_215 : vector<16xf32>
        %cumsum3A_217 = arith.constant true
        %cumsum3A_218 = vector.broadcast %cumsum3A_217 : i1 to vector<16xi1>
        %cumsum3A_219 = tpu.scan <sum>, %add3A_216 masked %cumsum3A_218 : vector<16xf32>, vector<16xi1> -> vector<16xf32>
        %mul3A_220 = arith.constant 20 : i32
        %mul3A_221 = vector.broadcast %mul3A_220 : i32 to vector<16xi32>
        %mul3A_222 = arith.muli %add3A_62, %mul3A_221 : vector<16xi32>
        %add3A_223 = arith.constant 4 : i32
        %add3A_224 = vector.broadcast %add3A_223 : i32 to vector<16xi32>
        %add3A_225 = arith.addi %mul3A_222, %add3A_224 : vector<16xi32>
        %neg3A_226 = arith.constant 0.000000e+00 : f32
        %neg3A_227 = vector.broadcast %neg3A_226 : f32 to vector<16xf32>
        %neg3A_228 = arith.subf %neg3A_227, %cumsum3A_219 : vector<16xf32>
        tpu.vector_store_idx %arg13[%add3A_225], %neg3A_228 masked %eq3A_38 : memref<640xf32, #tpu.memory_space<vmem>>[vector<16xi32>], vector<16xf32>, vector<16xi1>
        %mul3A_229 = arith.constant 21 : i32
        %mul3A_230 = vector.broadcast %mul3A_229 : i32 to vector<16xi32>
        %mul3A_231 = arith.muli %add3A_62, %mul3A_230 : vector<16xi32>
        %add3A_232 = arith.constant 6 : i32
        %add3A_233 = vector.broadcast %add3A_232 : i32 to vector<16xi32>
        %add3A_234 = arith.addi %mul3A_231, %add3A_233 : vector<16xi32>
        %gather3A_235 = tpu.vector_load_idx %arg11[%add3A_234, %add3A_41] : memref<672x64xf32, #tpu.memory_space<vmem>>[vector<16xi32>, vector<16xi32>], vector<16xf32>,
        %mul3A_236 = arith.mulf %gather3A, %gather3A_235 : vector<16xf32>
        %gather3A_237 = tpu.vector_load_idx %arg11[%add3A_234, %add3A_44] : memref<672x64xf32, #tpu.memory_space<vmem>>[vector<16xi32>, vector<16xi32>], vector<16xf32>,
        %mul3A_238 = arith.mulf %gather3A_63, %gather3A_237 : vector<16xf32>
        %add3A_239 = arith.addf %mul3A_236, %mul3A_238 : vector<16xf32>
        %gather3A_240 = tpu.vector_load_idx %arg11[%add3A_234, %add3A_47] : memref<672x64xf32, #tpu.memory_space<vmem>>[vector<16xi32>, vector<16xi32>], vector<16xf32>,
        %mul3A_241 = arith.mulf %gather3A_64, %gather3A_240 : vector<16xf32>
        %add3A_242 = arith.addf %add3A_239, %mul3A_241 : vector<16xf32>
        %gather3A_243 = tpu.vector_load_idx %arg11[%add3A_234, %add3A_50] : memref<672x64xf32, #tpu.memory_space<vmem>>[vector<16xi32>, vector<16xi32>], vector<16xf32>,
        %mul3A_244 = arith.mulf %gather3A_65, %gather3A_243 : vector<16xf32>
        %add3A_245 = arith.addf %add3A_242, %mul3A_244 : vector<16xf32>
        %cumsum3A_246 = arith.constant true
        %cumsum3A_247 = vector.broadcast %cumsum3A_246 : i1 to vector<16xi1>
        %cumsum3A_248 = tpu.scan <sum>, %add3A_245 masked %cumsum3A_247 : vector<16xf32>, vector<16xi1> -> vector<16xf32>
        %mul3A_249 = arith.constant 20 : i32
        %mul3A_250 = vector.broadcast %mul3A_249 : i32 to vector<16xi32>
        %mul3A_251 = arith.muli %add3A_62, %mul3A_250 : vector<16xi32>
        %add3A_252 = arith.constant 5 : i32
        %add3A_253 = vector.broadcast %add3A_252 : i32 to vector<16xi32>
        %add3A_254 = arith.addi %mul3A_251, %add3A_253 : vector<16xi32>
        %neg3A_255 = arith.constant 0.000000e+00 : f32
        %neg3A_256 = vector.broadcast %neg3A_255 : f32 to vector<16xf32>
        %neg3A_257 = arith.subf %neg3A_256, %cumsum3A_248 : vector<16xf32>
        tpu.vector_store_idx %arg13[%add3A_254], %neg3A_257 masked %eq3A_38 : memref<640xf32, #tpu.memory_space<vmem>>[vector<16xi32>], vector<16xf32>, vector<16xi1>
        %mul3A_258 = arith.constant 21 : i32
        %mul3A_259 = vector.broadcast %mul3A_258 : i32 to vector<16xi32>
        %mul3A_260 = arith.muli %add3A_62, %mul3A_259 : vector<16xi32>
        %add3A_261 = arith.constant 7 : i32
        %add3A_262 = vector.broadcast %add3A_261 : i32 to vector<16xi32>
        %add3A_263 = arith.addi %mul3A_260, %add3A_262 : vector<16xi32>
        %gather3A_264 = tpu.vector_load_idx %arg11[%add3A_263, %add3A_41] : memref<672x64xf32, #tpu.memory_space<vmem>>[vector<16xi32>, vector<16xi32>], vector<16xf32>,
        %mul3A_265 = arith.mulf %gather3A, %gather3A_264 : vector<16xf32>
        %gather3A_266 = tpu.vector_load_idx %arg11[%add3A_263, %add3A_44] : memref<672x64xf32, #tpu.memory_space<vmem>>[vector<16xi32>, vector<16xi32>], vector<16xf32>,
        %mul3A_267 = arith.mulf %gather3A_63, %gather3A_266 : vector<16xf32>
        %add3A_268 = arith.addf %mul3A_265, %mul3A_267 : vector<16xf32>
        %gather3A_269 = tpu.vector_load_idx %arg11[%add3A_263, %add3A_47] : memref<672x64xf32, #tpu.memory_space<vmem>>[vector<16xi32>, vector<16xi32>], vector<16xf32>,
        %mul3A_270 = arith.mulf %gather3A_64, %gather3A_269 : vector<16xf32>
        %add3A_271 = arith.addf %add3A_268, %mul3A_270 : vector<16xf32>
        %gather3A_272 = tpu.vector_load_idx %arg11[%add3A_263, %add3A_50] : memref<672x64xf32, #tpu.memory_space<vmem>>[vector<16xi32>, vector<16xi32>], vector<16xf32>,
        %mul3A_273 = arith.mulf %gather3A_65, %gather3A_272 : vector<16xf32>
        %add3A_274 = arith.addf %add3A_271, %mul3A_273 : vector<16xf32>
        %cumsum3A_275 = arith.constant true
        %cumsum3A_276 = vector.broadcast %cumsum3A_275 : i1 to vector<16xi1>
        %cumsum3A_277 = tpu.scan <sum>, %add3A_274 masked %cumsum3A_276 : vector<16xf32>, vector<16xi1> -> vector<16xf32>
        %mul3A_278 = arith.constant 20 : i32
        %mul3A_279 = vector.broadcast %mul3A_278 : i32 to vector<16xi32>
        %mul3A_280 = arith.muli %add3A_62, %mul3A_279 : vector<16xi32>
        %add3A_281 = arith.constant 6 : i32
        %add3A_282 = vector.broadcast %add3A_281 : i32 to vector<16xi32>
        %add3A_283 = arith.addi %mul3A_280, %add3A_282 : vector<16xi32>
        %neg3A_284 = arith.constant 0.000000e+00 : f32
        %neg3A_285 = vector.broadcast %neg3A_284 : f32 to vector<16xf32>
        %neg3A_286 = arith.subf %neg3A_285, %cumsum3A_277 : vector<16xf32>
        tpu.vector_store_idx %arg13[%add3A_283], %neg3A_286 masked %eq3A_38 : memref<640xf32, #tpu.memory_space<vmem>>[vector<16xi32>], vector<16xf32>, vector<16xi1>
        %mul3A_287 = arith.constant 21 : i32
        %mul3A_288 = vector.broadcast %mul3A_287 : i32 to vector<16xi32>
        %mul3A_289 = arith.muli %add3A_62, %mul3A_288 : vector<16xi32>
        %add3A_290 = arith.constant 8 : i32
        %add3A_291 = vector.broadcast %add3A_290 : i32 to vector<16xi32>
        %add3A_292 = arith.addi %mul3A_289, %add3A_291 : vector<16xi32>
        %gather3A_293 = tpu.vector_load_idx %arg11[%add3A_292, %add3A_41] : memref<672x64xf32, #tpu.memory_space<vmem>>[vector<16xi32>, vector<16xi32>], vector<16xf32>,
        %mul3A_294 = arith.mulf %gather3A, %gather3A_293 : vector<16xf32>
        %gather3A_295 = tpu.vector_load_idx %arg11[%add3A_292, %add3A_44] : memref<672x64xf32, #tpu.memory_space<vmem>>[vector<16xi32>, vector<16xi32>], vector<16xf32>,
        %mul3A_296 = arith.mulf %gather3A_63, %gather3A_295 : vector<16xf32>
        %add3A_297 = arith.addf %mul3A_294, %mul3A_296 : vector<16xf32>
        %gather3A_298 = tpu.vector_load_idx %arg11[%add3A_292, %add3A_47] : memref<672x64xf32, #tpu.memory_space<vmem>>[vector<16xi32>, vector<16xi32>], vector<16xf32>,
        %mul3A_299 = arith.mulf %gather3A_64, %gather3A_298 : vector<16xf32>
        %add3A_300 = arith.addf %add3A_297, %mul3A_299 : vector<16xf32>
        %gather3A_301 = tpu.vector_load_idx %arg11[%add3A_292, %add3A_50] : memref<672x64xf32, #tpu.memory_space<vmem>>[vector<16xi32>, vector<16xi32>], vector<16xf32>,
        %mul3A_302 = arith.mulf %gather3A_65, %gather3A_301 : vector<16xf32>
        %add3A_303 = arith.addf %add3A_300, %mul3A_302 : vector<16xf32>
        %cumsum3A_304 = arith.constant true
        %cumsum3A_305 = vector.broadcast %cumsum3A_304 : i1 to vector<16xi1>
        %cumsum3A_306 = tpu.scan <sum>, %add3A_303 masked %cumsum3A_305 : vector<16xf32>, vector<16xi1> -> vector<16xf32>
        %mul3A_307 = arith.constant 20 : i32
        %mul3A_308 = vector.broadcast %mul3A_307 : i32 to vector<16xi32>
        %mul3A_309 = arith.muli %add3A_62, %mul3A_308 : vector<16xi32>
        %add3A_310 = arith.constant 7 : i32
        %add3A_311 = vector.broadcast %add3A_310 : i32 to vector<16xi32>
        %add3A_312 = arith.addi %mul3A_309, %add3A_311 : vector<16xi32>
        %neg3A_313 = arith.constant 0.000000e+00 : f32
        %neg3A_314 = vector.broadcast %neg3A_313 : f32 to vector<16xf32>
        %neg3A_315 = arith.subf %neg3A_314, %cumsum3A_306 : vector<16xf32>
        tpu.vector_store_idx %arg13[%add3A_312], %neg3A_315 masked %eq3A_38 : memref<640xf32, #tpu.memory_space<vmem>>[vector<16xi32>], vector<16xf32>, vector<16xi1>
        %mul3A_316 = arith.constant 21 : i32
        %mul3A_317 = vector.broadcast %mul3A_316 : i32 to vector<16xi32>
        %mul3A_318 = arith.muli %add3A_62, %mul3A_317 : vector<16xi32>
        %add3A_319 = arith.constant 9 : i32
        %add3A_320 = vector.broadcast %add3A_319 : i32 to vector<16xi32>
        %add3A_321 = arith.addi %mul3A_318, %add3A_320 : vector<16xi32>
        %gather3A_322 = tpu.vector_load_idx %arg11[%add3A_321, %add3A_41] : memref<672x64xf32, #tpu.memory_space<vmem>>[vector<16xi32>, vector<16xi32>], vector<16xf32>,
        %mul3A_323 = arith.mulf %gather3A, %gather3A_322 : vector<16xf32>
        %gather3A_324 = tpu.vector_load_idx %arg11[%add3A_321, %add3A_44] : memref<672x64xf32, #tpu.memory_space<vmem>>[vector<16xi32>, vector<16xi32>], vector<16xf32>,
        %mul3A_325 = arith.mulf %gather3A_63, %gather3A_324 : vector<16xf32>
        %add3A_326 = arith.addf %mul3A_323, %mul3A_325 : vector<16xf32>
        %gather3A_327 = tpu.vector_load_idx %arg11[%add3A_321, %add3A_47] : memref<672x64xf32, #tpu.memory_space<vmem>>[vector<16xi32>, vector<16xi32>], vector<16xf32>,
        %mul3A_328 = arith.mulf %gather3A_64, %gather3A_327 : vector<16xf32>
        %add3A_329 = arith.addf %add3A_326, %mul3A_328 : vector<16xf32>
        %gather3A_330 = tpu.vector_load_idx %arg11[%add3A_321, %add3A_50] : memref<672x64xf32, #tpu.memory_space<vmem>>[vector<16xi32>, vector<16xi32>], vector<16xf32>,
        %mul3A_331 = arith.mulf %gather3A_65, %gather3A_330 : vector<16xf32>
        %add3A_332 = arith.addf %add3A_329, %mul3A_331 : vector<16xf32>
        %cumsum3A_333 = arith.constant true
        %cumsum3A_334 = vector.broadcast %cumsum3A_333 : i1 to vector<16xi1>
        %cumsum3A_335 = tpu.scan <sum>, %add3A_332 masked %cumsum3A_334 : vector<16xf32>, vector<16xi1> -> vector<16xf32>
        %mul3A_336 = arith.constant 20 : i32
        %mul3A_337 = vector.broadcast %mul3A_336 : i32 to vector<16xi32>
        %mul3A_338 = arith.muli %add3A_62, %mul3A_337 : vector<16xi32>
        %add3A_339 = arith.constant 8 : i32
        %add3A_340 = vector.broadcast %add3A_339 : i32 to vector<16xi32>
        %add3A_341 = arith.addi %mul3A_338, %add3A_340 : vector<16xi32>
        %neg3A_342 = arith.constant 0.000000e+00 : f32
        %neg3A_343 = vector.broadcast %neg3A_342 : f32 to vector<16xf32>
        %neg3A_344 = arith.subf %neg3A_343, %cumsum3A_335 : vector<16xf32>
        tpu.vector_store_idx %arg13[%add3A_341], %neg3A_344 masked %eq3A_38 : memref<640xf32, #tpu.memory_space<vmem>>[vector<16xi32>], vector<16xf32>, vector<16xi1>
        %mul3A_345 = arith.constant 21 : i32
        %mul3A_346 = vector.broadcast %mul3A_345 : i32 to vector<16xi32>
        %mul3A_347 = arith.muli %add3A_62, %mul3A_346 : vector<16xi32>
        %add3A_348 = arith.constant 10 : i32
        %add3A_349 = vector.broadcast %add3A_348 : i32 to vector<16xi32>
        %add3A_350 = arith.addi %mul3A_347, %add3A_349 : vector<16xi32>
        %gather3A_351 = tpu.vector_load_idx %arg11[%add3A_350, %add3A_41] : memref<672x64xf32, #tpu.memory_space<vmem>>[vector<16xi32>, vector<16xi32>], vector<16xf32>,
        %mul3A_352 = arith.mulf %gather3A, %gather3A_351 : vector<16xf32>
        %gather3A_353 = tpu.vector_load_idx %arg11[%add3A_350, %add3A_44] : memref<672x64xf32, #tpu.memory_space<vmem>>[vector<16xi32>, vector<16xi32>], vector<16xf32>,
        %mul3A_354 = arith.mulf %gather3A_63, %gather3A_353 : vector<16xf32>
        %add3A_355 = arith.addf %mul3A_352, %mul3A_354 : vector<16xf32>
        %gather3A_356 = tpu.vector_load_idx %arg11[%add3A_350, %add3A_47] : memref<672x64xf32, #tpu.memory_space<vmem>>[vector<16xi32>, vector<16xi32>], vector<16xf32>,
        %mul3A_357 = arith.mulf %gather3A_64, %gather3A_356 : vector<16xf32>
        %add3A_358 = arith.addf %add3A_355, %mul3A_357 : vector<16xf32>
        %gather3A_359 = tpu.vector_load_idx %arg11[%add3A_350, %add3A_50] : memref<672x64xf32, #tpu.memory_space<vmem>>[vector<16xi32>, vector<16xi32>], vector<16xf32>,
        %mul3A_360 = arith.mulf %gather3A_65, %gather3A_359 : vector<16xf32>
        %add3A_361 = arith.addf %add3A_358, %mul3A_360 : vector<16xf32>
        %cumsum3A_362 = arith.constant true
        %cumsum3A_363 = vector.broadcast %cumsum3A_362 : i1 to vector<16xi1>
        %cumsum3A_364 = tpu.scan <sum>, %add3A_361 masked %cumsum3A_363 : vector<16xf32>, vector<16xi1> -> vector<16xf32>
        %mul3A_365 = arith.constant 20 : i32
        %mul3A_366 = vector.broadcast %mul3A_365 : i32 to vector<16xi32>
        %mul3A_367 = arith.muli %add3A_62, %mul3A_366 : vector<16xi32>
        %add3A_368 = arith.constant 9 : i32
        %add3A_369 = vector.broadcast %add3A_368 : i32 to vector<16xi32>
        %add3A_370 = arith.addi %mul3A_367, %add3A_369 : vector<16xi32>
        %neg3A_371 = arith.constant 0.000000e+00 : f32
        %neg3A_372 = vector.broadcast %neg3A_371 : f32 to vector<16xf32>
        %neg3A_373 = arith.subf %neg3A_372, %cumsum3A_364 : vector<16xf32>
        tpu.vector_store_idx %arg13[%add3A_370], %neg3A_373 masked %eq3A_38 : memref<640xf32, #tpu.memory_space<vmem>>[vector<16xi32>], vector<16xf32>, vector<16xi1>
        %mul3A_374 = arith.constant 21 : i32
        %mul3A_375 = vector.broadcast %mul3A_374 : i32 to vector<16xi32>
        %mul3A_376 = arith.muli %add3A_62, %mul3A_375 : vector<16xi32>
        %add3A_377 = arith.constant 11 : i32
        %add3A_378 = vector.broadcast %add3A_377 : i32 to vector<16xi32>
        %add3A_379 = arith.addi %mul3A_376, %add3A_378 : vector<16xi32>
        %gather3A_380 = tpu.vector_load_idx %arg11[%add3A_379, %add3A_41] : memref<672x64xf32, #tpu.memory_space<vmem>>[vector<16xi32>, vector<16xi32>], vector<16xf32>,
        %mul3A_381 = arith.mulf %gather3A, %gather3A_380 : vector<16xf32>
        %gather3A_382 = tpu.vector_load_idx %arg11[%add3A_379, %add3A_44] : memref<672x64xf32, #tpu.memory_space<vmem>>[vector<16xi32>, vector<16xi32>], vector<16xf32>,
        %mul3A_383 = arith.mulf %gather3A_63, %gather3A_382 : vector<16xf32>
        %add3A_384 = arith.addf %mul3A_381, %mul3A_383 : vector<16xf32>
        %gather3A_385 = tpu.vector_load_idx %arg11[%add3A_379, %add3A_47] : memref<672x64xf32, #tpu.memory_space<vmem>>[vector<16xi32>, vector<16xi32>], vector<16xf32>,
        %mul3A_386 = arith.mulf %gather3A_64, %gather3A_385 : vector<16xf32>
        %add3A_387 = arith.addf %add3A_384, %mul3A_386 : vector<16xf32>
        %gather3A_388 = tpu.vector_load_idx %arg11[%add3A_379, %add3A_50] : memref<672x64xf32, #tpu.memory_space<vmem>>[vector<16xi32>, vector<16xi32>], vector<16xf32>,
        %mul3A_389 = arith.mulf %gather3A_65, %gather3A_388 : vector<16xf32>
        %add3A_390 = arith.addf %add3A_387, %mul3A_389 : vector<16xf32>
        %cumsum3A_391 = arith.constant true
        %cumsum3A_392 = vector.broadcast %cumsum3A_391 : i1 to vector<16xi1>
        %cumsum3A_393 = tpu.scan <sum>, %add3A_390 masked %cumsum3A_392 : vector<16xf32>, vector<16xi1> -> vector<16xf32>
        %mul3A_394 = arith.constant 20 : i32
        %mul3A_395 = vector.broadcast %mul3A_394 : i32 to vector<16xi32>
        %mul3A_396 = arith.muli %add3A_62, %mul3A_395 : vector<16xi32>
        %add3A_397 = arith.constant 10 : i32
        %add3A_398 = vector.broadcast %add3A_397 : i32 to vector<16xi32>
        %add3A_399 = arith.addi %mul3A_396, %add3A_398 : vector<16xi32>
        %neg3A_400 = arith.constant 0.000000e+00 : f32
        %neg3A_401 = vector.broadcast %neg3A_400 : f32 to vector<16xf32>
        %neg3A_402 = arith.subf %neg3A_401, %cumsum3A_393 : vector<16xf32>
        tpu.vector_store_idx %arg13[%add3A_399], %neg3A_402 masked %eq3A_38 : memref<640xf32, #tpu.memory_space<vmem>>[vector<16xi32>], vector<16xf32>, vector<16xi1>
        %mul3A_403 = arith.constant 21 : i32
        %mul3A_404 = vector.broadcast %mul3A_403 : i32 to vector<16xi32>
        %mul3A_405 = arith.muli %add3A_62, %mul3A_404 : vector<16xi32>
        %add3A_406 = arith.constant 12 : i32
        %add3A_407 = vector.broadcast %add3A_406 : i32 to vector<16xi32>
        %add3A_408 = arith.addi %mul3A_405, %add3A_407 : vector<16xi32>
        %gather3A_409 = tpu.vector_load_idx %arg11[%add3A_408, %add3A_41] : memref<672x64xf32, #tpu.memory_space<vmem>>[vector<16xi32>, vector<16xi32>], vector<16xf32>,
        %mul3A_410 = arith.mulf %gather3A, %gather3A_409 : vector<16xf32>
        %gather3A_411 = tpu.vector_load_idx %arg11[%add3A_408, %add3A_44] : memref<672x64xf32, #tpu.memory_space<vmem>>[vector<16xi32>, vector<16xi32>], vector<16xf32>,
        %mul3A_412 = arith.mulf %gather3A_63, %gather3A_411 : vector<16xf32>
        %add3A_413 = arith.addf %mul3A_410, %mul3A_412 : vector<16xf32>
        %gather3A_414 = tpu.vector_load_idx %arg11[%add3A_408, %add3A_47] : memref<672x64xf32, #tpu.memory_space<vmem>>[vector<16xi32>, vector<16xi32>], vector<16xf32>,
        %mul3A_415 = arith.mulf %gather3A_64, %gather3A_414 : vector<16xf32>
        %add3A_416 = arith.addf %add3A_413, %mul3A_415 : vector<16xf32>
        %gather3A_417 = tpu.vector_load_idx %arg11[%add3A_408, %add3A_50] : memref<672x64xf32, #tpu.memory_space<vmem>>[vector<16xi32>, vector<16xi32>], vector<16xf32>,
        %mul3A_418 = arith.mulf %gather3A_65, %gather3A_417 : vector<16xf32>
        %add3A_419 = arith.addf %add3A_416, %mul3A_418 : vector<16xf32>
        %cumsum3A_420 = arith.constant true
        %cumsum3A_421 = vector.broadcast %cumsum3A_420 : i1 to vector<16xi1>
        %cumsum3A_422 = tpu.scan <sum>, %add3A_419 masked %cumsum3A_421 : vector<16xf32>, vector<16xi1> -> vector<16xf32>
        %mul3A_423 = arith.constant 20 : i32
        %mul3A_424 = vector.broadcast %mul3A_423 : i32 to vector<16xi32>
        %mul3A_425 = arith.muli %add3A_62, %mul3A_424 : vector<16xi32>
        %add3A_426 = arith.constant 11 : i32
        %add3A_427 = vector.broadcast %add3A_426 : i32 to vector<16xi32>
        %add3A_428 = arith.addi %mul3A_425, %add3A_427 : vector<16xi32>
        %neg3A_429 = arith.constant 0.000000e+00 : f32
        %neg3A_430 = vector.broadcast %neg3A_429 : f32 to vector<16xf32>
        %neg3A_431 = arith.subf %neg3A_430, %cumsum3A_422 : vector<16xf32>
        tpu.vector_store_idx %arg13[%add3A_428], %neg3A_431 masked %eq3A_38 : memref<640xf32, #tpu.memory_space<vmem>>[vector<16xi32>], vector<16xf32>, vector<16xi1>
        %mul3A_432 = arith.constant 21 : i32
        %mul3A_433 = vector.broadcast %mul3A_432 : i32 to vector<16xi32>
        %mul3A_434 = arith.muli %add3A_62, %mul3A_433 : vector<16xi32>
        %add3A_435 = arith.constant 13 : i32
        %add3A_436 = vector.broadcast %add3A_435 : i32 to vector<16xi32>
        %add3A_437 = arith.addi %mul3A_434, %add3A_436 : vector<16xi32>
        %gather3A_438 = tpu.vector_load_idx %arg11[%add3A_437, %add3A_41] : memref<672x64xf32, #tpu.memory_space<vmem>>[vector<16xi32>, vector<16xi32>], vector<16xf32>,
        %mul3A_439 = arith.mulf %gather3A, %gather3A_438 : vector<16xf32>
        %gather3A_440 = tpu.vector_load_idx %arg11[%add3A_437, %add3A_44] : memref<672x64xf32, #tpu.memory_space<vmem>>[vector<16xi32>, vector<16xi32>], vector<16xf32>,
        %mul3A_441 = arith.mulf %gather3A_63, %gather3A_440 : vector<16xf32>
        %add3A_442 = arith.addf %mul3A_439, %mul3A_441 : vector<16xf32>
        %gather3A_443 = tpu.vector_load_idx %arg11[%add3A_437, %add3A_47] : memref<672x64xf32, #tpu.memory_space<vmem>>[vector<16xi32>, vector<16xi32>], vector<16xf32>,
        %mul3A_444 = arith.mulf %gather3A_64, %gather3A_443 : vector<16xf32>
        %add3A_445 = arith.addf %add3A_442, %mul3A_444 : vector<16xf32>
        %gather3A_446 = tpu.vector_load_idx %arg11[%add3A_437, %add3A_50] : memref<672x64xf32, #tpu.memory_space<vmem>>[vector<16xi32>, vector<16xi32>], vector<16xf32>,
        %mul3A_447 = arith.mulf %gather3A_65, %gather3A_446 : vector<16xf32>
        %add3A_448 = arith.addf %add3A_445, %mul3A_447 : vector<16xf32>
        %cumsum3A_449 = arith.constant true
        %cumsum3A_450 = vector.broadcast %cumsum3A_449 : i1 to vector<16xi1>
        %cumsum3A_451 = tpu.scan <sum>, %add3A_448 masked %cumsum3A_450 : vector<16xf32>, vector<16xi1> -> vector<16xf32>
        %mul3A_452 = arith.constant 20 : i32
        %mul3A_453 = vector.broadcast %mul3A_452 : i32 to vector<16xi32>
        %mul3A_454 = arith.muli %add3A_62, %mul3A_453 : vector<16xi32>
        %add3A_455 = arith.constant 12 : i32
        %add3A_456 = vector.broadcast %add3A_455 : i32 to vector<16xi32>
        %add3A_457 = arith.addi %mul3A_454, %add3A_456 : vector<16xi32>
        %neg3A_458 = arith.constant 0.000000e+00 : f32
        %neg3A_459 = vector.broadcast %neg3A_458 : f32 to vector<16xf32>
        %neg3A_460 = arith.subf %neg3A_459, %cumsum3A_451 : vector<16xf32>
        tpu.vector_store_idx %arg13[%add3A_457], %neg3A_460 masked %eq3A_38 : memref<640xf32, #tpu.memory_space<vmem>>[vector<16xi32>], vector<16xf32>, vector<16xi1>
        %mul3A_461 = arith.constant 21 : i32
        %mul3A_462 = vector.broadcast %mul3A_461 : i32 to vector<16xi32>
        %mul3A_463 = arith.muli %add3A_62, %mul3A_462 : vector<16xi32>
        %add3A_464 = arith.constant 14 : i32
        %add3A_465 = vector.broadcast %add3A_464 : i32 to vector<16xi32>
        %add3A_466 = arith.addi %mul3A_463, %add3A_465 : vector<16xi32>
        %gather3A_467 = tpu.vector_load_idx %arg11[%add3A_466, %add3A_41] : memref<672x64xf32, #tpu.memory_space<vmem>>[vector<16xi32>, vector<16xi32>], vector<16xf32>,
        %mul3A_468 = arith.mulf %gather3A, %gather3A_467 : vector<16xf32>
        %gather3A_469 = tpu.vector_load_idx %arg11[%add3A_466, %add3A_44] : memref<672x64xf32, #tpu.memory_space<vmem>>[vector<16xi32>, vector<16xi32>], vector<16xf32>,
        %mul3A_470 = arith.mulf %gather3A_63, %gather3A_469 : vector<16xf32>
        %add3A_471 = arith.addf %mul3A_468, %mul3A_470 : vector<16xf32>
        %gather3A_472 = tpu.vector_load_idx %arg11[%add3A_466, %add3A_47] : memref<672x64xf32, #tpu.memory_space<vmem>>[vector<16xi32>, vector<16xi32>], vector<16xf32>,
        %mul3A_473 = arith.mulf %gather3A_64, %gather3A_472 : vector<16xf32>
        %add3A_474 = arith.addf %add3A_471, %mul3A_473 : vector<16xf32>
        %gather3A_475 = tpu.vector_load_idx %arg11[%add3A_466, %add3A_50] : memref<672x64xf32, #tpu.memory_space<vmem>>[vector<16xi32>, vector<16xi32>], vector<16xf32>,
        %mul3A_476 = arith.mulf %gather3A_65, %gather3A_475 : vector<16xf32>
        %add3A_477 = arith.addf %add3A_474, %mul3A_476 : vector<16xf32>
        %cumsum3A_478 = arith.constant true
        %cumsum3A_479 = vector.broadcast %cumsum3A_478 : i1 to vector<16xi1>
        %cumsum3A_480 = tpu.scan <sum>, %add3A_477 masked %cumsum3A_479 : vector<16xf32>, vector<16xi1> -> vector<16xf32>
        %mul3A_481 = arith.constant 20 : i32
        %mul3A_482 = vector.broadcast %mul3A_481 : i32 to vector<16xi32>
        %mul3A_483 = arith.muli %add3A_62, %mul3A_482 : vector<16xi32>
        %add3A_484 = arith.constant 13 : i32
        %add3A_485 = vector.broadcast %add3A_484 : i32 to vector<16xi32>
        %add3A_486 = arith.addi %mul3A_483, %add3A_485 : vector<16xi32>
        %neg3A_487 = arith.constant 0.000000e+00 : f32
        %neg3A_488 = vector.broadcast %neg3A_487 : f32 to vector<16xf32>
        %neg3A_489 = arith.subf %neg3A_488, %cumsum3A_480 : vector<16xf32>
        tpu.vector_store_idx %arg13[%add3A_486], %neg3A_489 masked %eq3A_38 : memref<640xf32, #tpu.memory_space<vmem>>[vector<16xi32>], vector<16xf32>, vector<16xi1>
        %mul3A_490 = arith.constant 21 : i32
        %mul3A_491 = vector.broadcast %mul3A_490 : i32 to vector<16xi32>
        %mul3A_492 = arith.muli %add3A_62, %mul3A_491 : vector<16xi32>
        %add3A_493 = arith.constant 15 : i32
        %add3A_494 = vector.broadcast %add3A_493 : i32 to vector<16xi32>
        %add3A_495 = arith.addi %mul3A_492, %add3A_494 : vector<16xi32>
        %gather3A_496 = tpu.vector_load_idx %arg11[%add3A_495, %add3A_41] : memref<672x64xf32, #tpu.memory_space<vmem>>[vector<16xi32>, vector<16xi32>], vector<16xf32>,
        %mul3A_497 = arith.mulf %gather3A, %gather3A_496 : vector<16xf32>
        %gather3A_498 = tpu.vector_load_idx %arg11[%add3A_495, %add3A_44] : memref<672x64xf32, #tpu.memory_space<vmem>>[vector<16xi32>, vector<16xi32>], vector<16xf32>,
        %mul3A_499 = arith.mulf %gather3A_63, %gather3A_498 : vector<16xf32>
        %add3A_500 = arith.addf %mul3A_497, %mul3A_499 : vector<16xf32>
        %gather3A_501 = tpu.vector_load_idx %arg11[%add3A_495, %add3A_47] : memref<672x64xf32, #tpu.memory_space<vmem>>[vector<16xi32>, vector<16xi32>], vector<16xf32>,
        %mul3A_502 = arith.mulf %gather3A_64, %gather3A_501 : vector<16xf32>
        %add3A_503 = arith.addf %add3A_500, %mul3A_502 : vector<16xf32>
        %gather3A_504 = tpu.vector_load_idx %arg11[%add3A_495, %add3A_50] : memref<672x64xf32, #tpu.memory_space<vmem>>[vector<16xi32>, vector<16xi32>], vector<16xf32>,
        %mul3A_505 = arith.mulf %gather3A_65, %gather3A_504 : vector<16xf32>
        %add3A_506 = arith.addf %add3A_503, %mul3A_505 : vector<16xf32>
        %cumsum3A_507 = arith.constant true
        %cumsum3A_508 = vector.broadcast %cumsum3A_507 : i1 to vector<16xi1>
        %cumsum3A_509 = tpu.scan <sum>, %add3A_506 masked %cumsum3A_508 : vector<16xf32>, vector<16xi1> -> vector<16xf32>
        %mul3A_510 = arith.constant 20 : i32
        %mul3A_511 = vector.broadcast %mul3A_510 : i32 to vector<16xi32>
        %mul3A_512 = arith.muli %add3A_62, %mul3A_511 : vector<16xi32>
        %add3A_513 = arith.constant 14 : i32
        %add3A_514 = vector.broadcast %add3A_513 : i32 to vector<16xi32>
        %add3A_515 = arith.addi %mul3A_512, %add3A_514 : vector<16xi32>
        %neg3A_516 = arith.constant 0.000000e+00 : f32
        %neg3A_517 = vector.broadcast %neg3A_516 : f32 to vector<16xf32>
        %neg3A_518 = arith.subf %neg3A_517, %cumsum3A_509 : vector<16xf32>
        tpu.vector_store_idx %arg13[%add3A_515], %neg3A_518 masked %eq3A_38 : memref<640xf32, #tpu.memory_space<vmem>>[vector<16xi32>], vector<16xf32>, vector<16xi1>
        %mul3A_519 = arith.constant 21 : i32
        %mul3A_520 = vector.broadcast %mul3A_519 : i32 to vector<16xi32>
        %mul3A_521 = arith.muli %add3A_62, %mul3A_520 : vector<16xi32>
        %add3A_522 = arith.constant 16 : i32
        %add3A_523 = vector.broadcast %add3A_522 : i32 to vector<16xi32>
        %add3A_524 = arith.addi %mul3A_521, %add3A_523 : vector<16xi32>
        %gather3A_525 = tpu.vector_load_idx %arg11[%add3A_524, %add3A_41] : memref<672x64xf32, #tpu.memory_space<vmem>>[vector<16xi32>, vector<16xi32>], vector<16xf32>,
        %mul3A_526 = arith.mulf %gather3A, %gather3A_525 : vector<16xf32>
        %gather3A_527 = tpu.vector_load_idx %arg11[%add3A_524, %add3A_44] : memref<672x64xf32, #tpu.memory_space<vmem>>[vector<16xi32>, vector<16xi32>], vector<16xf32>,
        %mul3A_528 = arith.mulf %gather3A_63, %gather3A_527 : vector<16xf32>
        %add3A_529 = arith.addf %mul3A_526, %mul3A_528 : vector<16xf32>
        %gather3A_530 = tpu.vector_load_idx %arg11[%add3A_524, %add3A_47] : memref<672x64xf32, #tpu.memory_space<vmem>>[vector<16xi32>, vector<16xi32>], vector<16xf32>,
        %mul3A_531 = arith.mulf %gather3A_64, %gather3A_530 : vector<16xf32>
        %add3A_532 = arith.addf %add3A_529, %mul3A_531 : vector<16xf32>
        %gather3A_533 = tpu.vector_load_idx %arg11[%add3A_524, %add3A_50] : memref<672x64xf32, #tpu.memory_space<vmem>>[vector<16xi32>, vector<16xi32>], vector<16xf32>,
        %mul3A_534 = arith.mulf %gather3A_65, %gather3A_533 : vector<16xf32>
        %add3A_535 = arith.addf %add3A_532, %mul3A_534 : vector<16xf32>
        %cumsum3A_536 = arith.constant true
        %cumsum3A_537 = vector.broadcast %cumsum3A_536 : i1 to vector<16xi1>
        %cumsum3A_538 = tpu.scan <sum>, %add3A_535 masked %cumsum3A_537 : vector<16xf32>, vector<16xi1> -> vector<16xf32>
        %mul3A_539 = arith.constant 20 : i32
        %mul3A_540 = vector.broadcast %mul3A_539 : i32 to vector<16xi32>
        %mul3A_541 = arith.muli %add3A_62, %mul3A_540 : vector<16xi32>
        %add3A_542 = arith.constant 15 : i32
        %add3A_543 = vector.broadcast %add3A_542 : i32 to vector<16xi32>
        %add3A_544 = arith.addi %mul3A_541, %add3A_543 : vector<16xi32>
        %neg3A_545 = arith.constant 0.000000e+00 : f32
        %neg3A_546 = vector.broadcast %neg3A_545 : f32 to vector<16xf32>
        %neg3A_547 = arith.subf %neg3A_546, %cumsum3A_538 : vector<16xf32>
        tpu.vector_store_idx %arg13[%add3A_544], %neg3A_547 masked %eq3A_38 : memref<640xf32, #tpu.memory_space<vmem>>[vector<16xi32>], vector<16xf32>, vector<16xi1>
        %mul3A_548 = arith.constant 21 : i32
        %mul3A_549 = vector.broadcast %mul3A_548 : i32 to vector<16xi32>
        %mul3A_550 = arith.muli %add3A_62, %mul3A_549 : vector<16xi32>
        %add3A_551 = arith.constant 17 : i32
        %add3A_552 = vector.broadcast %add3A_551 : i32 to vector<16xi32>
        %add3A_553 = arith.addi %mul3A_550, %add3A_552 : vector<16xi32>
        %gather3A_554 = tpu.vector_load_idx %arg11[%add3A_553, %add3A_41] : memref<672x64xf32, #tpu.memory_space<vmem>>[vector<16xi32>, vector<16xi32>], vector<16xf32>,
        %mul3A_555 = arith.mulf %gather3A, %gather3A_554 : vector<16xf32>
        %gather3A_556 = tpu.vector_load_idx %arg11[%add3A_553, %add3A_44] : memref<672x64xf32, #tpu.memory_space<vmem>>[vector<16xi32>, vector<16xi32>], vector<16xf32>,
        %mul3A_557 = arith.mulf %gather3A_63, %gather3A_556 : vector<16xf32>
        %add3A_558 = arith.addf %mul3A_555, %mul3A_557 : vector<16xf32>
        %gather3A_559 = tpu.vector_load_idx %arg11[%add3A_553, %add3A_47] : memref<672x64xf32, #tpu.memory_space<vmem>>[vector<16xi32>, vector<16xi32>], vector<16xf32>,
        %mul3A_560 = arith.mulf %gather3A_64, %gather3A_559 : vector<16xf32>
        %add3A_561 = arith.addf %add3A_558, %mul3A_560 : vector<16xf32>
        %gather3A_562 = tpu.vector_load_idx %arg11[%add3A_553, %add3A_50] : memref<672x64xf32, #tpu.memory_space<vmem>>[vector<16xi32>, vector<16xi32>], vector<16xf32>,
        %mul3A_563 = arith.mulf %gather3A_65, %gather3A_562 : vector<16xf32>
        %add3A_564 = arith.addf %add3A_561, %mul3A_563 : vector<16xf32>
        %cumsum3A_565 = arith.constant true
        %cumsum3A_566 = vector.broadcast %cumsum3A_565 : i1 to vector<16xi1>
        %cumsum3A_567 = tpu.scan <sum>, %add3A_564 masked %cumsum3A_566 : vector<16xf32>, vector<16xi1> -> vector<16xf32>
        %mul3A_568 = arith.constant 20 : i32
        %mul3A_569 = vector.broadcast %mul3A_568 : i32 to vector<16xi32>
        %mul3A_570 = arith.muli %add3A_62, %mul3A_569 : vector<16xi32>
        %add3A_571 = arith.constant 16 : i32
        %add3A_572 = vector.broadcast %add3A_571 : i32 to vector<16xi32>
        %add3A_573 = arith.addi %mul3A_570, %add3A_572 : vector<16xi32>
        %neg3A_574 = arith.constant 0.000000e+00 : f32
        %neg3A_575 = vector.broadcast %neg3A_574 : f32 to vector<16xf32>
        %neg3A_576 = arith.subf %neg3A_575, %cumsum3A_567 : vector<16xf32>
        tpu.vector_store_idx %arg13[%add3A_573], %neg3A_576 masked %eq3A_38 : memref<640xf32, #tpu.memory_space<vmem>>[vector<16xi32>], vector<16xf32>, vector<16xi1>
        %mul3A_577 = arith.constant 21 : i32
        %mul3A_578 = vector.broadcast %mul3A_577 : i32 to vector<16xi32>
        %mul3A_579 = arith.muli %add3A_62, %mul3A_578 : vector<16xi32>
        %add3A_580 = arith.constant 18 : i32
        %add3A_581 = vector.broadcast %add3A_580 : i32 to vector<16xi32>
        %add3A_582 = arith.addi %mul3A_579, %add3A_581 : vector<16xi32>
        %gather3A_583 = tpu.vector_load_idx %arg11[%add3A_582, %add3A_41] : memref<672x64xf32, #tpu.memory_space<vmem>>[vector<16xi32>, vector<16xi32>], vector<16xf32>,
        %mul3A_584 = arith.mulf %gather3A, %gather3A_583 : vector<16xf32>
        %gather3A_585 = tpu.vector_load_idx %arg11[%add3A_582, %add3A_44] : memref<672x64xf32, #tpu.memory_space<vmem>>[vector<16xi32>, vector<16xi32>], vector<16xf32>,
        %mul3A_586 = arith.mulf %gather3A_63, %gather3A_585 : vector<16xf32>
        %add3A_587 = arith.addf %mul3A_584, %mul3A_586 : vector<16xf32>
        %gather3A_588 = tpu.vector_load_idx %arg11[%add3A_582, %add3A_47] : memref<672x64xf32, #tpu.memory_space<vmem>>[vector<16xi32>, vector<16xi32>], vector<16xf32>,
        %mul3A_589 = arith.mulf %gather3A_64, %gather3A_588 : vector<16xf32>
        %add3A_590 = arith.addf %add3A_587, %mul3A_589 : vector<16xf32>
        %gather3A_591 = tpu.vector_load_idx %arg11[%add3A_582, %add3A_50] : memref<672x64xf32, #tpu.memory_space<vmem>>[vector<16xi32>, vector<16xi32>], vector<16xf32>,
        %mul3A_592 = arith.mulf %gather3A_65, %gather3A_591 : vector<16xf32>
        %add3A_593 = arith.addf %add3A_590, %mul3A_592 : vector<16xf32>
        %cumsum3A_594 = arith.constant true
        %cumsum3A_595 = vector.broadcast %cumsum3A_594 : i1 to vector<16xi1>
        %cumsum3A_596 = tpu.scan <sum>, %add3A_593 masked %cumsum3A_595 : vector<16xf32>, vector<16xi1> -> vector<16xf32>
        %mul3A_597 = arith.constant 20 : i32
        %mul3A_598 = vector.broadcast %mul3A_597 : i32 to vector<16xi32>
        %mul3A_599 = arith.muli %add3A_62, %mul3A_598 : vector<16xi32>
        %add3A_600 = arith.constant 17 : i32
        %add3A_601 = vector.broadcast %add3A_600 : i32 to vector<16xi32>
        %add3A_602 = arith.addi %mul3A_599, %add3A_601 : vector<16xi32>
        %neg3A_603 = arith.constant 0.000000e+00 : f32
        %neg3A_604 = vector.broadcast %neg3A_603 : f32 to vector<16xf32>
        %neg3A_605 = arith.subf %neg3A_604, %cumsum3A_596 : vector<16xf32>
        tpu.vector_store_idx %arg13[%add3A_602], %neg3A_605 masked %eq3A_38 : memref<640xf32, #tpu.memory_space<vmem>>[vector<16xi32>], vector<16xf32>, vector<16xi1>
        %mul3A_606 = arith.constant 21 : i32
        %mul3A_607 = vector.broadcast %mul3A_606 : i32 to vector<16xi32>
        %mul3A_608 = arith.muli %add3A_62, %mul3A_607 : vector<16xi32>
        %add3A_609 = arith.constant 19 : i32
        %add3A_610 = vector.broadcast %add3A_609 : i32 to vector<16xi32>
        %add3A_611 = arith.addi %mul3A_608, %add3A_610 : vector<16xi32>
        %gather3A_612 = tpu.vector_load_idx %arg11[%add3A_611, %add3A_41] : memref<672x64xf32, #tpu.memory_space<vmem>>[vector<16xi32>, vector<16xi32>], vector<16xf32>,
        %mul3A_613 = arith.mulf %gather3A, %gather3A_612 : vector<16xf32>
        %gather3A_614 = tpu.vector_load_idx %arg11[%add3A_611, %add3A_44] : memref<672x64xf32, #tpu.memory_space<vmem>>[vector<16xi32>, vector<16xi32>], vector<16xf32>,
        %mul3A_615 = arith.mulf %gather3A_63, %gather3A_614 : vector<16xf32>
        %add3A_616 = arith.addf %mul3A_613, %mul3A_615 : vector<16xf32>
        %gather3A_617 = tpu.vector_load_idx %arg11[%add3A_611, %add3A_47] : memref<672x64xf32, #tpu.memory_space<vmem>>[vector<16xi32>, vector<16xi32>], vector<16xf32>,
        %mul3A_618 = arith.mulf %gather3A_64, %gather3A_617 : vector<16xf32>
        %add3A_619 = arith.addf %add3A_616, %mul3A_618 : vector<16xf32>
        %gather3A_620 = tpu.vector_load_idx %arg11[%add3A_611, %add3A_50] : memref<672x64xf32, #tpu.memory_space<vmem>>[vector<16xi32>, vector<16xi32>], vector<16xf32>,
        %mul3A_621 = arith.mulf %gather3A_65, %gather3A_620 : vector<16xf32>
        %add3A_622 = arith.addf %add3A_619, %mul3A_621 : vector<16xf32>
        %cumsum3A_623 = arith.constant true
        %cumsum3A_624 = vector.broadcast %cumsum3A_623 : i1 to vector<16xi1>
        %cumsum3A_625 = tpu.scan <sum>, %add3A_622 masked %cumsum3A_624 : vector<16xf32>, vector<16xi1> -> vector<16xf32>
        %mul3A_626 = arith.constant 20 : i32
        %mul3A_627 = vector.broadcast %mul3A_626 : i32 to vector<16xi32>
        %mul3A_628 = arith.muli %add3A_62, %mul3A_627 : vector<16xi32>
        %add3A_629 = arith.constant 18 : i32
        %add3A_630 = vector.broadcast %add3A_629 : i32 to vector<16xi32>
        %add3A_631 = arith.addi %mul3A_628, %add3A_630 : vector<16xi32>
        %neg3A_632 = arith.constant 0.000000e+00 : f32
        %neg3A_633 = vector.broadcast %neg3A_632 : f32 to vector<16xf32>
        %neg3A_634 = arith.subf %neg3A_633, %cumsum3A_625 : vector<16xf32>
        tpu.vector_store_idx %arg13[%add3A_631], %neg3A_634 masked %eq3A_38 : memref<640xf32, #tpu.memory_space<vmem>>[vector<16xi32>], vector<16xf32>, vector<16xi1>
        %mul3A_635 = arith.constant 21 : i32
        %mul3A_636 = vector.broadcast %mul3A_635 : i32 to vector<16xi32>
        %mul3A_637 = arith.muli %add3A_62, %mul3A_636 : vector<16xi32>
        %add3A_638 = arith.constant 20 : i32
        %add3A_639 = vector.broadcast %add3A_638 : i32 to vector<16xi32>
        %add3A_640 = arith.addi %mul3A_637, %add3A_639 : vector<16xi32>
        %gather3A_641 = tpu.vector_load_idx %arg11[%add3A_640, %add3A_41] : memref<672x64xf32, #tpu.memory_space<vmem>>[vector<16xi32>, vector<16xi32>], vector<16xf32>,
        %mul3A_642 = arith.mulf %gather3A, %gather3A_641 : vector<16xf32>
        %gather3A_643 = tpu.vector_load_idx %arg11[%add3A_640, %add3A_44] : memref<672x64xf32, #tpu.memory_space<vmem>>[vector<16xi32>, vector<16xi32>], vector<16xf32>,
        %mul3A_644 = arith.mulf %gather3A_63, %gather3A_643 : vector<16xf32>
        %add3A_645 = arith.addf %mul3A_642, %mul3A_644 : vector<16xf32>
        %gather3A_646 = tpu.vector_load_idx %arg11[%add3A_640, %add3A_47] : memref<672x64xf32, #tpu.memory_space<vmem>>[vector<16xi32>, vector<16xi32>], vector<16xf32>,
        %mul3A_647 = arith.mulf %gather3A_64, %gather3A_646 : vector<16xf32>
        %add3A_648 = arith.addf %add3A_645, %mul3A_647 : vector<16xf32>
        %gather3A_649 = tpu.vector_load_idx %arg11[%add3A_640, %add3A_50] : memref<672x64xf32, #tpu.memory_space<vmem>>[vector<16xi32>, vector<16xi32>], vector<16xf32>,
        %mul3A_650 = arith.mulf %gather3A_65, %gather3A_649 : vector<16xf32>
        %add3A_651 = arith.addf %add3A_648, %mul3A_650 : vector<16xf32>
        %cumsum3A_652 = arith.constant true
        %cumsum3A_653 = vector.broadcast %cumsum3A_652 : i1 to vector<16xi1>
        %cumsum3A_654 = tpu.scan <sum>, %add3A_651 masked %cumsum3A_653 : vector<16xf32>, vector<16xi1> -> vector<16xf32>
        %mul3A_655 = arith.constant 20 : i32
        %mul3A_656 = vector.broadcast %mul3A_655 : i32 to vector<16xi32>
        %mul3A_657 = arith.muli %add3A_62, %mul3A_656 : vector<16xi32>
        %add3A_658 = arith.constant 19 : i32
        %add3A_659 = vector.broadcast %add3A_658 : i32 to vector<16xi32>
        %add3A_660 = arith.addi %mul3A_657, %add3A_659 : vector<16xi32>
        %neg3A_661 = arith.constant 0.000000e+00 : f32
        %neg3A_662 = vector.broadcast %neg3A_661 : f32 to vector<16xf32>
        %neg3A_663 = arith.subf %neg3A_662, %cumsum3A_654 : vector<16xf32>
        tpu.vector_store_idx %arg13[%add3A_660], %neg3A_663 masked %eq3A_38 : memref<640xf32, #tpu.memory_space<vmem>>[vector<16xi32>], vector<16xf32>, vector<16xi1>
      }
      %scan3A_56 = arith.constant 32 : i32
      "tpu.region"() ({
        %run_scoped3A = tpu.sem_alloc : memref<!tpu.dma_semaphore, #tpu.memory_space<semaphore_mem>>
        %dma_start3A = tpu.memref_slice %arg6[%add3A_11] : memref<16384xf32, #tpu.memory_space<hbm>> -> memref<32xf32, #tpu.memory_space<hbm>>
        %dma_start3A_59 = tpu.memref_slice %arg6[%add3A_11] : memref<16384xf32, #tpu.memory_space<hbm>> -> memref<32xf32, #tpu.memory_space<hbm>>
        tpu.enqueue_dma source(%arg12 : memref<32xf32, #tpu.memory_space<vmem>>) target(%dma_start3A_59 : memref<32xf32, #tpu.memory_space<hbm>>) target_semaphore(%run_scoped3A : memref<!tpu.dma_semaphore, #tpu.memory_space<semaphore_mem>>)
        %dma_wait3A_60 = tpu.memref_slice %arg6[%add3A_11] : memref<16384xf32, #tpu.memory_space<hbm>> -> memref<32xf32, #tpu.memory_space<hbm>>
        %dma_wait3A_61 = tpu.memref_slice %arg6[%add3A_11] : memref<16384xf32, #tpu.memory_space<hbm>> -> memref<32xf32, #tpu.memory_space<hbm>>
        tpu.wait_dma2 semaphore(%run_scoped3A : memref<!tpu.dma_semaphore, #tpu.memory_space<semaphore_mem>>) src(%arg12 : memref<32xf32, #tpu.memory_space<vmem>>) dst(%dma_wait3A_61 : memref<32xf32, #tpu.memory_space<hbm>>)
        tpu.yield
      }) : () -> ()
      %mul3A_57 = arith.constant 20 : i32
      %mul3A_58 = arith.muli %add3A_11, %mul3A_57 : i32
      "tpu.region"() ({
        %run_scoped3A = tpu.sem_alloc : memref<!tpu.dma_semaphore, #tpu.memory_space<semaphore_mem>>
        %dma_start3A = tpu.memref_slice %arg7[%mul3A_58] : memref<327680xf32, #tpu.memory_space<hbm>> -> memref<640xf32, #tpu.memory_space<hbm>>
        %dma_start3A_59 = tpu.memref_slice %arg7[%mul3A_58] : memref<327680xf32, #tpu.memory_space<hbm>> -> memref<640xf32, #tpu.memory_space<hbm>>
        tpu.enqueue_dma source(%arg13 : memref<640xf32, #tpu.memory_space<vmem>>) target(%dma_start3A_59 : memref<640xf32, #tpu.memory_space<hbm>>) target_semaphore(%run_scoped3A : memref<!tpu.dma_semaphore, #tpu.memory_space<semaphore_mem>>)
        %dma_wait3A_60 = tpu.memref_slice %arg7[%mul3A_58] : memref<327680xf32, #tpu.memory_space<hbm>> -> memref<640xf32, #tpu.memory_space<hbm>>
        %dma_wait3A_61 = tpu.memref_slice %arg7[%mul3A_58] : memref<327680xf32, #tpu.memory_space<hbm>> -> memref<640xf32, #tpu.memory_space<hbm>>
        tpu.wait_dma2 semaphore(%run_scoped3A : memref<!tpu.dma_semaphore, #tpu.memory_space<semaphore_mem>>) src(%arg13 : memref<640xf32, #tpu.memory_space<vmem>>) dst(%dma_wait3A_61 : memref<640xf32, #tpu.memory_space<hbm>>)
        tpu.yield
      }) : () -> ()
    }
    %scan3A_7 = arith.constant 16 : i32
    return
  }
}

</mosaic_0001>

<sc_bundles>
// kernel: kernel.3.cloned.1.call-start
scs
__scs_entry_jumppad:
0x0: {  	(pc) =	sbr.rel $0x88, $3  }
0x1: {  	(tag) =	ssettag $0x0;
	lr =	simm.s32 $0x1  }
0x2: {  	[smem:$0x3F9C] =	sst lr;
	_ =	strace $0xD0000000  }
0x3: {  	_ = 	snop  }
0x4: {  	_ = 	snop  }
0x5: {  	_ = 	snop  }
0x6: {  	_ = 	snop  }
0x7: {  	_ = 	snop  }
__scs_overlays_trampoline_lowered:
0x8: {  	[smem:$0x3FAB] =	sst s0  }
0x9: {  	[smem:$0x3FAC] =	sst s1  }
0xa: {  	[smem:$0x3FAD] =	sst s2  }
0xb: {  	[smem:$0x3FAE] =	sst s3  }
0xc: {  	[smem:$0x3FAF] =	sst s4  }
0xd: {  	[smem:$0x3FB0] =	sst s5  }
0xe: {  	[smem:$0x3FB1] =	sst s6  }
0xf: {  	[smem:$0x3FB2] =	sst s7  }
0x10: {  	[smem:$0x3FB3] =	sst s8  }
0x11: {  	[smem:$0x3FB4] =	sst s9;
	s0 =	simm.s32 @!p0 $0x0  }
0x12: {  	s1 =	sld [smem:$0x3F9A];
	s0 =	simm.s32 @p0 $0x1  }
0x13: {  	[smem:$0x3FB5] =	sst s0;
	s0 =	simm.s32 @!p1 $0x0  }
0x14: {  	s2 =	sld [smem:$0x3F99];
	s0 =	simm.s32 @p1 $0x1  }
0x15: {  	[smem:$0x3FB6] =	sst s0;
	s0 =	simm.s32 @!p2 $0x0  }
0x16: {  	s3 =	sld [smem:$0x3FDB];
	s0 =	simm.s32 @p2 $0x1  }
0x17: {  	s4 =	simm.s32 $0x1BF5;
	[smem:$0x3FB8] =	sst s0  }
0x18: {  	s0 =	sld [smem:$0x3F9B];
	_ =	swait.ge [sflag:s4], $0x0  }
0x19: {  	s7 =	sld [smem:$0x3F9C]  }
0x1a: {  	s8 =	sadd.s32 $0xFFFFE003, lr  }
0x1b: {  	s9 =	sadd.s32 $0xFFFFFEF7, lr;
	s5 =	simm.s32 $0xFFFFFFFF;
	p2 =	slt.u32 s8, $0xFFFFF086  }
0x1c: {  	p1 =	slt.u32 s9, $0xF7A;
	s5 =	simm.s32 @!p2 $0x0  }
0x1d: {  	s5 =	simm.s32 @p1 $0x1;
	p0 =	seq.s32 s7, s2  }
0x1e: {  	s7 =	smul.u32 @!p0 $0xF7A, s2;
	p2 =	seq.s32 @!p0 s5, $0x0  }
0x1f: {  	s9 =	smul.u32 $0xF7A, s1;
	s8 =	simm.s32 @!p0 $0x1BF5;
	p2 =	por !p2, p0  }
0x20: {  	[sflag:s8] =	ssyncset.s32 @!p0 $0xFFFFF086;
	s6 =	sadd.s32 @!p0 s3, s7;
	s7 =	simm.s32 @!p0 $0x108  }
0x21: {  	s3 =	sadd.s32 s3, s9;
	s6 =	sadd.s32 @!p0 $0x88, s6;
	s7 =	simm.s32 @p2 $0x1082  }
0x22: {  	[simem:s7], [sflag:s8] =	dma.local @!p0 [hbm:s6], $0xF7A  }
0x23: {  	s9 =	sor.u32 $0xD0000000, s2;
	s6 =	simm.s32 $0x108;
	_ =	swait.ge @!p0 [sflag:s8], $0x0  }
0x24: {  	s3 =	sadd.s32 $0x88, s3;
	s6 =	simm.s32 @!p1 $0x1082;
	[sflag:s4] =	ssyncset.s32 $0xFFFFF086  }
0x25: {  	[simem:s6], [sflag:s4] =	dma.local [hbm:s3], $0xF7A  }
0x26: {  	[smem:$0x3F9C] =	sst s1;
	(tag) =	ssettag s2;
	_ =	strace s9  }
0x27: {  	s1 =	sld [smem:$0x3FAC]  }
0x28: {  	s2 =	sld [smem:$0x3FAD]  }
0x29: {  	s4 =	sld [smem:$0x3FAF]  }
0x2a: {  	p0 =	seq.s32 s5, $0x0;
	s5 =	sld [smem:$0x3FB0]  }
0x2b: {  	s6 =	sld [smem:$0x3FB1]  }
0x2c: {  	s7 =	sld [smem:$0x3FB2]  }
0x2d: {  	s3 =	simm.s32 $0x108;
	s8 =	sld [smem:$0x3FB3]  }
0x2e: {  	s3 =	simm.s32 @!p0 $0x1082;
	s9 =	sld [smem:$0x3FB4]  }
0x2f: {  	lr =	sadd.s32 s0, s3;
	s0 =	sld [smem:$0x3FAB]  }
0x30: {  	s3 =	sld [smem:$0x3FAE]  }
0x31: {  	[smem:$0x3FB7] =	sst s10  }
0x32: {  	s10 =	sld [smem:$0x3FB5];
	_ =	sdelay $0x3  }
0x33: {  	p0 =	seq.s32 s10, $0x1;
	s10 =	sld [smem:$0x3FB7];
	_ =	sdelay $0x3  }
0x34: {  	[smem:$0x3FB7] =	sst s10  }
0x35: {  	s10 =	sld [smem:$0x3FB6];
	_ =	sdelay $0x3  }
0x36: {  	p1 =	seq.s32 s10, $0x1;
	s10 =	sld [smem:$0x3FB7];
	_ =	sdelay $0x3  }
0x37: {  	[smem:$0x3FB7] =	sst s10  }
0x38: {  	s10 =	sld [smem:$0x3FB8]  }
0x39: {  	_ = 	snop;
	(pc) =	sbr.ind lr, $3  }
0x3a: {  	_ = 	snop  }
0x3b: {  	_ = 	snop  }
0x3c: {  	p2 =	seq.s32 s10, $0x1;
	s10 =	sld [smem:$0x3FB7]  }
0x3d: {  	_ =	shalt  }
0x3e: {  	_ =	shalt  }
0x3f: {  	_ =	shalt  }
0x40: {  	_ =	shalt  }
0x41: {  	_ =	shalt  }
0x42: {  	_ =	shalt  }
0x43: {  	_ =	shalt  }
0x44: {  	_ =	shalt  }
0x45: {  	_ =	shalt  }
0x46: {  	_ =	shalt  }
0x47: {  	_ =	shalt  }
0x48: {  	_ =	shalt  }
0x49: {  	_ =	shalt  }
0x4a: {  	_ =	shalt  }
0x4b: {  	_ =	shalt  }
0x4c: {  	_ =	shalt  }
0x4d: {  	_ =	shalt  }
0x4e: {  	_ =	shalt  }
0x4f: {  	_ =	shalt  }
0x50: {  	_ =	shalt  }
0x51: {  	_ =	shalt  }
0x52: {  	_ =	shalt  }
0x53: {  	_ =	shalt  }
0x54: {  	_ =	shalt  }
0x55: {  	_ =	shalt  }
0x56: {  	_ =	shalt  }
0x57: {  	_ =	shalt  }
0x58: {  	_ =	shalt  }
0x59: {  	_ =	shalt  }
0x5a: {  	_ =	shalt  }
0x5b: {  	_ =	shalt  }
0x5c: {  	_ =	shalt  }
0x5d: {  	_ =	shalt  }
0x5e: {  	_ =	shalt  }
0x5f: {  	_ =	shalt  }
0x60: {  	_ =	shalt  }
0x61: {  	_ =	shalt  }
0x62: {  	_ =	shalt  }
0x63: {  	_ =	shalt  }
0x64: {  	_ =	shalt  }
0x65: {  	_ =	shalt  }
0x66: {  	_ =	shalt  }
0x67: {  	_ =	shalt  }
0x68: {  	_ =	shalt  }
0x69: {  	_ =	shalt  }
0x6a: {  	_ =	shalt  }
0x6b: {  	_ =	shalt  }
0x6c: {  	_ =	shalt  }
0x6d: {  	_ =	shalt  }
0x6e: {  	_ =	shalt  }
0x6f: {  	_ =	shalt  }
0x70: {  	_ =	shalt  }
0x71: {  	_ =	shalt  }
0x72: {  	_ =	shalt  }
0x73: {  	_ =	shalt  }
0x74: {  	_ =	shalt  }
0x75: {  	_ =	shalt  }
0x76: {  	_ =	shalt  }
0x77: {  	_ =	shalt  }
0x78: {  	_ =	shalt  }
0x79: {  	_ =	shalt  }
0x7a: {  	_ =	shalt  }
0x7b: {  	_ =	shalt  }
0x7c: {  	_ =	shalt  }
0x7d: {  	_ =	shalt  }
0x7e: {  	_ =	shalt  }
0x7f: {  	_ =	shalt  }
0x80: {  	_ =	shalt  }
0x81: {  	_ =	shalt  }
0x82: {  	_ =	shalt  }
0x83: {  	_ =	shalt  }
0x84: {  	_ =	shalt  }
0x85: {  	_ =	shalt  }
0x86: {  	_ =	shalt  }
0x87: {  	_ =	shalt  }
.Lfunc_end0:
.L_simem_size_0:
called_computation_lowered:
.L_overlay_start_0:
0x88: {  	s2 =	sld [smem:$0x3FD9]  }
0x89: {  	s3 =	sld [smem:$0x3FFE];
	_ =	sdelay $0x1  }
0x8a: {  	s1 =	srdreg.scid  }
0x8b: {  	s0 =	sand.u32 $0x1, s1  }
0x8c: {  	s14 =	sshll.u32 s0, $0xA;
	s2 =	sadd.s32 s3, s2  }
0x8d: {  	s2 =	sadd.s32 s2, s14  }
0x8e: {  	[smem:$0x3FC3] =	sst s2  }
0x8f: {  	_ = 	snop  }
0x90: {  	s2 =	sld [smem:$0x3FD0];
	_ =	sdelay $0x2  }
0x91: {  	s4 =	simm.s32 $0xA;
	s5 =	simm.s32 $0x10;
	s15 =	sld [smem:$0x3FC9]  }
0x92: {  	[smem:s5], [sflag:s4] =	dma.local [hbm:s2], $0x1  }
0x93: {  	_ =	swait.eq [sflag:s4], $0x1  }
0x94: {  	[sflag:s4] =	ssyncset.done $0x0  }
0x95: {  	s16 =	sld [smem:$0x10];
	[sflag:s4] =	ssyncadd.s32 $0xFFFFFFFF  }
0x96: {  	s17 =	sld [smem:$0x11];
	(tm) =	ssettm $0x1  }
0x97: {  	s18 =	sld [smem:$0x3FFB];
	_ =	sdelay $0x3  }
0x98: {  	_ =	strace s18  }
0x99: {  	s5 =	sld [smem:$0x3FFC];
	_ =	sdelay $0x3  }
0x9a: {  	_ =	strace s5  }
0x9b: {  	s5 =	sld [smem:$0x3FFD];
	_ =	sdelay $0x3  }
0x9c: {  	_ =	strace s5  }
0x9d: {  	_ =	strace $0x8FFFFFFF  }
0x9e: {  	s19 =	sld [smem:$0x3FDB];
	_ =	sdelay $0x1  }
0x9f: {  	s6 =	simm.s32 $_scs_section_size  }
0xa0: {  	s7 =	simm.s32 $_size__tile_overlayer_lowered;
	s8 =	simm.s32 $_tile_overlayer_lowered  }
0xa1: {  	s22 =	simm.s32 $0x1BFF;
	s21 =	sshll.u32 s8, $0x1;
	s5 =	sadd.s32 s6, s19  }
0xa2: {  	s9 =	simm.s32 $0x0;
	s20 =	sshll.u32 s7, $0x1;
	s7 =	sadd.s32 s21, s5  }
0xa3: {  	[timem:s9], [sflag:s22] =	dma.local [hbm:s7], s20  }
0xa4: {  	_ =	swait.ge [sflag:s22], s20  }
0xa5: {  	s6 =	ssub.s32 $0x0, s20;
	[sflag:s22] =	ssyncset.done $0x0  }
0xa6: {  	[sflag:s22] =	ssyncadd.s32 s6;
	_ =	sdelay $0x1  }
0xa7: {  	s23 =	simm.s32 $0x1B8B  }
0xa8: {  	_ =	swait.ge [sflag:s23], $0x1  }
0xa9: {  	[sflag:s23] =	ssyncset.done $0x0  }
0xaa: {  	s25 =	simm.s32 $0x1B8E;
	s24 =	sld [smem:$0x3FFE];
	[sflag:s23] =	ssyncadd.s32 $0xFFFFFFFF  }
0xab: {  	s26 =	simm.s32 $execute0_lowered;
	[smem:$0x3FD2] =	sst s25  }
0xac: {  	s7 =	sshll.u32 s26, $0x1;
	_ =	strace $0x80000046;
	[dreg:$0x1] =	wrdreg $0xFFFFFFFF  }
0xad: {  	s28 =	simm.s32 $_size_execute0_lowered;
	s5 =	sadd.s32 s5, s7;
	[dreg:$0x0] =	wrdreg $0x0  }
0xae: {  	s7 =	sshll.u32 s28, $0x1;
	[dreg:$0x2] =	wrdreg s5  }
0xaf: {  	[dreg:$0x3] =	wrdreg s7  }
0xb0: {  	[dreg:$0x4] =	wrdreg $0xC0  }
0xb1: {  	_ =	task [dreg:s9], $0x5FFFF  }
0xb2: {  	[dreg:$0x1] =	wrdreg $0xFFFFFFFF  }
0xb3: {  	[dreg:$0x0] =	wrdreg $0x60  }
0xb4: {  	[dreg:$0x2] =	wrdreg s15  }
0xb5: {  	[dreg:$0x3] =	wrdreg s17  }
0xb6: {  	[dreg:$0x4] =	wrdreg s24  }
0xb7: {  	[dreg:$0x5] =	wrdreg s16  }
0xb8: {  	[dreg:$0x6] =	wrdreg $0x9  }
0xb9: {  	_ =	task.clear_ibuf [dreg:s9], $0x7FFFF;
	_ =	strace $0x90000046  }
0xba: {  	s29 =	simm.s32 $0x9;
	_ =	strace $0x80000048  }
0xbb: {  	_ =	swait.ge [sflag:s29], $0x1  }
0xbc: {  	[sflag:s29] =	ssyncadd.s32 $0xFFFFFFFF  }
0xbd: {  	_ =	strace $0x90000048  }
0xbe: {  	_ =	sfence  }
0xbf: {  	s30 =	sld [smem:$0x0];
	_ =	sdelay $0x2  }
0xc0: {  	s31 =	sshll.u32 s1, $0xD;
	s1 =	sshrl.u32 s1, $0x2  }
0xc1: {  	s3 =	sand.u32 $0x4000, s31;
	s1 =	sadd.s32 s1, s30  }
0xc2: {  	s0 =	sor.u32 s3, s0;
	s1 =	sshll.u32 s1, $0x11  }
0xc3: {  	s0 =	sor.u32 s1, s0  }
0xc4: {  	s0 =	sadd.s32 $0x8F2B, s0  }
0xc5: {  	[sflag:s0] =	ssyncadd.remote.s32 $0x1  }
0xc6: {  	_ =	sfence.sel $0xFFFF  }
0xc7: {  	[dreg:$0x0] =	wrdreg $0xFFFFFFFF;
	(pc) =	sbr.abs _section_cstart, $3  }
0xc8: {  	[dreg:$0x1] =	wrdreg $0xFFFFFFFF  }
0xc9: {  	_ =	task.clear_ibuf [dreg:s9], $0x2FFFF;
	_ =	strace $0x9FFFFFFF  }
0xca: {  	(tm) =	ssettm $0x7FFFFFFF  }
0xcb: {  	_ =	shalt  }
tec
execute0_lowered:
.L_overlay_start_1:
0x0: {  	(tag) =	ssettag $0x1  }
0x1: {  	v0 =	vlaneseq.u32  }
0x2: {  	vm0 =	vcmask $0x3F3C;
	v1 =	vor.u32 $0x10, v0  }
0x3: {  	v2 =	vor.u32 $0x20, v0;
	v3 =	vor.u32 $0x30, v0;
	v13 =	vor.u32 $0x80, v0  }
0x4: {  	v14 =	vor.u32 $0x90, v0;
	v15 =	vor.u32 $0xA0, v0;
	v16 =	vor.u32 $0xB0, v0  }
0x5: {  	v17 =	vor.u32 $0x100, v0;
	v18 =	vor.u32 $0x110, v0;
	v19 =	vor.u32 $0x120, v0  }
0x6: {  	v20 =	vor.u32 $0x130, v0;
	v21 =	vor.u32 $0x180, v0;
	v22 =	vor.u32 $0x190, v0  }
0x7: {  	v23 =	vor.u32 $0x1A0, v0;
	v24 =	vor.u32 $0x1B0, v0;
	v25 =	vor.u32 $0x200, v0  }
0x8: {  	s0 =	rddreg [dreg:$0x0];
	v26 =	vor.u32 $0x210, v0;
	v27 =	vor.u32 $0x220, v0;
	v28 =	vor.u32 $0x230, v0  }
0x9: {  	s1 =	rddreg [dreg:$0x1];
	v29 =	vor.u32 $0x280, v0;
	v30 =	vor.u32 $0x290, v0;
	v31 =	vor.u32 $0x2A0, v0  }
0xa: {  	s8 =	rddreg [dreg:$0x2];
	v32 =	vor.u32 $0x2B0, v0;
	v33 =	vor.u32 $0x300, v0;
	v34 =	vor.u32 $0x310, v0  }
0xb: {  	s3 =	rddreg [dreg:$0x3];
	s4 =	simm.s32 $0x0;
	v35 =	vor.u32 $0x320, v0;
	v36 =	vor.u32 $0x330, v0;
	v37 =	vor.u32 $0x380, v0  }
0xc: {  	v38 =	vor.u32 $0x390, v0;
	v39 =	vor.u32 $0x3A0, v0;
	[smem:$0x7FF] =	sst s4;
	v4 =	vor.u32 $0x790, v0  }
0xd: {  	s2 =	rddreg [dreg:$0x4];
	v40 =	vor.u32 $0x3B0, v0;
	v41 =	vor.u32 $0x400, v0;
	v42 =	vor.u32 $0x410, v0;
	_ =	strace $0x80000047;
	[tilespmem:$0x1FF60] =	vst v4  }
0xe: {  	v43 =	vor.u32 $0x420, v0;
	v44 =	vor.u32 $0x430, v0;
	v7 =	vor.u32 $0x690, v0;
	[tilespmem:$0x1FF70] =	vst v13  }
0xf: {  	v45 =	vor.u32 $0x480, v0;
	v46 =	vor.u32 $0x490, v0;
	v8 =	vor.u32 $0x6A0, v0;
	[tilespmem:$0x1FF80] =	vst v7  }
0x10: {  	s6 =	srdreg.scid;
	s14 =	simm.s32 $0x380;
	s15 =	simm.s32 $0x1380;
	v47 =	vor.u32 $0x4A0, v0;
	v48 =	vor.u32 $0x4B0, v0;
	v9 =	vor.u32 $0x6B0, v0;
	[tilespmem:$0x1FF90] =	vst v8  }
0x11: {  	s13 =	simm.s32 $0x1;
	s16 =	simm.s32 $0x16380;
	s17 =	simm.s32 $0x16400;
	v49 =	vor.u32 $0x500, v0;
	v50 =	vor.u32 $0x510, v0;
	v10 =	vor.u32 $0x700, v0;
	[tilespmem:$0x1FFA0] =	vst v9  }
0x12: {  	s18 =	simm.s32 $0x0;
	s5 =	sadd.s32 $0x800, s8;
	s9 =	sand.u32 $0x1, s6;
	v51 =	vor.u32 $0x520, v0;
	v52 =	vor.u32 $0x530, v0;
	v11 =	vor.u32 $0x710, v0;
	[tilespmem:$0x1FFB0] =	vst v10  }
0x13: {  	s7 =	sadd.s32 $0xF42C00, s8;
	s6 =	stileid.u32;
	v53 =	vor.u32 $0x580, v0;
	v54 =	vor.u32 $0x590, v0;
	v12 =	vor.u32 $0x720, v0;
	s10 =	ssub.s32 $0x2, s9;
	[tilespmem:$0x1FFC0] =	vst v11  }
0x14: {  	v55 =	vor.u32 $0x5A0, v0;
	v56 =	vor.u32 $0x5B0, v0;
	v62 =	vor.u32 $0x730, v0;
	s12 =	sshll.u32 s6, $0xA;
	s9 =	sshll.u32 s9, $0x9;
	[tilespmem:$0x1FFD0] =	vst v12;
	s11 =	sshrl.u32 s10, $0x1  }
0x15: {  	v57 =	vor.u32 $0x600, v0;
	v58 =	vor.u32 $0x610, v0;
	s8 =	sadd.s32 $0x1E85000, s8;
	v63 =	vor.u32 $0x780, v0;
	[tilespmem:$0x1FFE0] =	vst v62;
	s9 =	sor.u32 s9, s12;
	s10 =	ssub.s32 s10, s11  }
0x16: {  	v59 =	vor.u32 $0x620, v0;
	v60 =	vor.u32 $0x630, v0;
	v61 =	vor.u32 $0x680, v0;
	[tilespmem:$0x1FFF0] =	vst v63;
	s12 =	simm.s32 $0x80;
	s11 =	simm.s32 $0x2;
	s10 =	smax.u32 s10, $0x1  }
.LBB2_1:
0x17: {  	s19 =	simm.s32 $0x0  }
.LBB2_2:
0x18: {  	s20 =	sshll.u32 s19, $0x5  }
0x19: {  	s20 =	sadd.s32 s9, s20  }
0x1a: {  	s21 =	sshrl.u32 s20, $0x3  }
0x1b: {  	s22 =	simm.s32 $0x0;
	s29 =	smul.u32 $0x15, s20;
	s23 =	sadd.s32 s0, s21  }
0x1c: {  	[tilespmem:s22], [sflag:$0x2] =	stream.linear.gather [hbm4b:s23+s22], $0x20, $0x38;
	[tilespmem:$0x16680] =	vst v63  }
0x1d: {  	_ =	swait.ge [sflag:s11], $0x20  }
0x1e: {  	s23 =	sshrl.u32 s29, $0x3;
	[sflag:s11] =	ssyncset.done $0x0  }
0x1f: {  	v4 =	vmov s22;
	s23 =	sadd.s32 s1, s23;
	[sflag:s11] =	ssyncadd.s32 $0xFFFFFFE0  }
0x20: {  	[tilespmem:s12], [sflag:$0x2] =	stream.linear.gather [hbm4b:s23+s22], $0x2A0, $0x38;
	[tilespmem:$0x16680] =	vst v63  }
0x21: {  	_ =	swait.ge [sflag:s11], $0x2A0  }
0x22: {  	[sflag:s11] =	ssyncset.done $0x0  }
0x23: {  	[sflag:s11] =	ssyncadd.s32 $0xFFFFFD60  }
0x24: {  	v5 =	vld.idx.msk [tilespmem:v4+s22+$0x0], $0xffff;
	_ =	sdelay $0x4  }
0x25: {  	v5 =	vxor.u32 $0x80000000, v5  }
0x26: {  	(xrf0) =	vmax.scan.msk.u32 $0xffff, v5;
	_ =	sdelay $0x5  }
0x27: {  	v5, _, _ =	vpop (xrf0)  }
0x28: {  	(v2sf) =	vpush v5, $0xF;
	_ =	sdelay $0xd  }
0x29: {  	s30 =	simm.s32 $0x1  }
0x2a: {  	v5 =	vmov s30;
	s31 =	spop (v2sf)  }
0x2b: {  	s23 =	sshll.u32 s31, $0x4  }
0x2c: {  	s23 =	sand.u32 $0x1FFFFFF0, s23  }
0x2d: {  	s24 =	simm.s32 $0x380;
	s23 =	sadd.s32 s5, s23  }
0x2e: {  	[tilespmem:s24], [sflag:$0x1] =	stream.linear.gather [hbm4b:s23+s22], $0x80, $0x38;
	[tilespmem:$0x16680] =	vst v63  }
0x2f: {  	v6 =	vld.idx.msk [tilespmem:v5+s22+$0x0], $0xffff;
	_ =	sdelay $0x4  }
0x30: {  	v6 =	vxor.u32 $0x80000000, v6  }
0x31: {  	(xrf0) =	vmax.scan.msk.u32 $0xffff, v6;
	_ =	sdelay $0x5  }
0x32: {  	v6, _, _ =	vpop (xrf0)  }
0x33: {  	(v2sf) =	vpush v6, $0xF;
	_ =	sdelay $0xd  }
0x34: {  	s23 =	simm.s32 $0x2  }
0x35: {  	s25 =	simm.s32 $0x3;
	v6 =	vmov s23;
	s26 =	spop (v2sf)  }
.LBB2_3:
0x36: {  	p0 =	sne.s32 s25, $0x1F;
	s26 =	sshll.u32 s26, $0x4  }
0x37: {  	s26 =	sand.u32 $0x1FFFFFF0, s26  }
0x38: {  	s24 =	sadd.s32 $0x80, s24;
	s26 =	sadd.s32 s5, s26  }
0x39: {  	[tilespmem:s24], [sflag:$0x1] =	stream.linear.gather [hbm4b:s26+s22], $0x80, $0x38;
	[tilespmem:$0x16680] =	vst v63  }
0x3a: {  	v6 =	vld.idx.msk [tilespmem:v6+s22+$0x0], $0xffff;
	_ =	sdelay $0x5  }
0x3b: {  	v6 =	vxor.u32 $0x80000000, v6  }
0x3c: {  	(xrf0) =	vmax.scan.msk.u32 $0xffff, v6;
	_ =	sdelay $0x5  }
0x3d: {  	v6, _, _ =	vpop (xrf0)  }
0x3e: {  	(v2sf) =	vpush v6, $0xF;
	_ =	sdelay $0xa  }
.Ltmp0:
0x3f: {  	(pc) =	sbr.rel @p0 .LBB2_3-.Ltmp0, $2  }
0x40: {  	_ =	sdelay $0x2  }
0x41: {  	v6 =	vmov s25;
	s25 =	sadd.s32 $0x1, s25;
	s26 =	spop (v2sf)  }
0x42: {  	s25 =	sshll.u32 s26, $0x4  }
0x43: {  	s25 =	sand.u32 $0x1FFFFFF0, s25  }
0x44: {  	s24 =	sadd.s32 $0x80, s24;
	s25 =	sadd.s32 s5, s25  }
0x45: {  	[tilespmem:s24], [sflag:$0x1] =	stream.linear.gather [hbm4b:s25+s22], $0x80, $0x38;
	[tilespmem:$0x16680] =	vst v63  }
0x46: {  	v6 =	vld.idx.msk [tilespmem:v6+s22+$0x0], $0xffff;
	_ =	sdelay $0x4  }
0x47: {  	v6 =	vxor.u32 $0x80000000, v6  }
0x48: {  	(xrf0) =	vmax.scan.msk.u32 $0xffff, v6;
	_ =	sdelay $0x5  }
0x49: {  	v6, _, _ =	vpop (xrf0)  }
0x4a: {  	(v2sf) =	vpush v6, $0xF;
	_ =	sdelay $0xe  }
0x4b: {  	s29 =	spop (v2sf)  }
0x4c: {  	s25 =	sshll.u32 s29, $0x4  }
0x4d: {  	s25 =	sand.u32 $0x1FFFFFF0, s25  }
0x4e: {  	s24 =	sadd.s32 $0x80, s24;
	s25 =	sadd.s32 s5, s25  }
0x4f: {  	[tilespmem:s24], [sflag:$0x1] =	stream.linear.gather [hbm4b:s25+s22], $0x80, $0x38;
	[tilespmem:$0x16680] =	vst v63  }
0x50: {  	v4 =	vld.idx.msk [tilespmem:v4+s12+$0x0], $0xffff;
	_ =	sdelay $0x4  }
0x51: {  	v4 =	vxor.u32 $0x80000000, v4  }
0x52: {  	(xrf0) =	vmax.scan.msk.u32 $0xffff, v4;
	_ =	sdelay $0x5  }
0x53: {  	v4, _, _ =	vpop (xrf0)  }
0x54: {  	(v2sf) =	vpush v4, $0xF;
	_ =	sdelay $0xe  }
0x55: {  	s30 =	spop (v2sf)  }
0x56: {  	s22 =	sshll.u32 s30, $0x4  }
0x57: {  	s31 =	sand.u32 $0x1FFFFFF0, s22  }
0x58: {  	s22 =	simm.s32 $0x1380;
	s24 =	sadd.s32 s7, s31  }
0x59: {  	[tilespmem:s22], [sflag:$0x1] =	stream.linear.gather [hbm4b:s24+s4], $0x80, $0x38;
	[tilespmem:$0x16680] =	vst v63  }
0x5a: {  	v4 =	vld.idx.msk [tilespmem:v5+s12+$0x0], $0xffff;
	_ =	sdelay $0x4  }
0x5b: {  	v4 =	vxor.u32 $0x80000000, v4  }
0x5c: {  	(xrf0) =	vmax.scan.msk.u32 $0xffff, v4;
	_ =	sdelay $0x5  }
0x5d: {  	v4, _, _ =	vpop (xrf0)  }
0x5e: {  	(v2sf) =	vpush v4, $0xF;
	_ =	sdelay $0xe  }
0x5f: {  	v4 =	vmov s23;
	s23 =	simm.s32 $0x3;
	s24 =	spop (v2sf)  }
.LBB2_5:
0x60: {  	p0 =	sne.s32 s23, $0x29F;
	s24 =	sshll.u32 s24, $0x4  }
0x61: {  	s24 =	sand.u32 $0x1FFFFFF0, s24  }
0x62: {  	s22 =	sadd.s32 $0x80, s22;
	s24 =	sadd.s32 s7, s24  }
0x63: {  	[tilespmem:s22], [sflag:$0x1] =	stream.linear.gather [hbm4b:s24+s4], $0x80, $0x38;
	[tilespmem:$0x16680] =	vst v63  }
0x64: {  	v4 =	vld.idx.msk [tilespmem:v4+s12+$0x0], $0xffff;
	_ =	sdelay $0x5  }
0x65: {  	v4 =	vxor.u32 $0x80000000, v4  }
0x66: {  	(xrf0) =	vmax.scan.msk.u32 $0xffff, v4;
	_ =	sdelay $0x5  }
0x67: {  	v4, _, _ =	vpop (xrf0)  }
0x68: {  	(v2sf) =	vpush v4, $0xF;
	_ =	sdelay $0xa  }
.Ltmp1:
0x69: {  	(pc) =	sbr.rel @p0 .LBB2_5-.Ltmp1, $2  }
0x6a: {  	_ =	sdelay $0x2  }
0x6b: {  	v4 =	vmov s23;
	s23 =	sadd.s32 $0x1, s23;
	s24 =	spop (v2sf)  }
0x6c: {  	s23 =	sshll.u32 s24, $0x4  }
0x6d: {  	s23 =	sand.u32 $0x1FFFFFF0, s23  }
0x6e: {  	s22 =	sadd.s32 $0x80, s22;
	s23 =	sadd.s32 s7, s23  }
0x6f: {  	[tilespmem:s22], [sflag:$0x1] =	stream.linear.gather [hbm4b:s23+s4], $0x80, $0x38;
	[tilespmem:$0x16680] =	vst v63  }
0x70: {  	v4 =	vld.idx.msk [tilespmem:v4+s12+$0x0], $0xffff;
	_ =	sdelay $0x4  }
0x71: {  	v4 =	vxor.u32 $0x80000000, v4  }
0x72: {  	(xrf0) =	vmax.scan.msk.u32 $0xffff, v4;
	_ =	sdelay $0x5  }
0x73: {  	v4, _, _ =	vpop (xrf0)  }
0x74: {  	(v2sf) =	vpush v4, $0xF;
	_ =	sdelay $0xe  }
0x75: {  	s31 =	spop (v2sf)  }
0x76: {  	s23 =	sshll.u32 s31, $0x4  }
0x77: {  	s23 =	sand.u32 $0x1FFFFFF0, s23  }
0x78: {  	s22 =	sadd.s32 $0x80, s22;
	s23 =	sadd.s32 s7, s23  }
0x79: {  	[tilespmem:s22], [sflag:$0x1] =	stream.linear.gather [hbm4b:s23+s4], $0x80, $0x38;
	[tilespmem:$0x16680] =	vst v63  }
0x7a: {  	_ =	swait.ge [sflag:s13], $0x1000  }
0x7b: {  	[sflag:s13] =	ssyncset.done $0x0  }
0x7c: {  	[sflag:s13] =	ssyncadd.s32 $0xFFFFF000  }
0x7d: {  	_ =	swait.ge [sflag:s13], $0x15000  }
0x7e: {  	[sflag:s13] =	ssyncset.done $0x0  }
0x7f: {  	s22 =	simm.s32 $0x0;
	v13 =	vld [tilespmem:$0x1FF60];
	[sflag:s13] =	ssyncadd.s32 $0xFFFEB000  }
.LBB2_7:
0x80: {  	v7 =	vmov s22  }
0x81: {  	v5 =	vshll.u32 v7, $0x7  }
0x82: {  	v63 =	vmul.u32 $0xA80, v7;
	v4 =	vor.u32 v0, v5  }
0x83: {  	v6 =	vor.u32 v1, v5  }
0x84: {  	v8 =	vor.u32 v0, v63  }
0x85: {  	v9 =	vor.u32 v1, v63  }
0x86: {  	v10 =	vor.u32 v2, v5  }
0x87: {  	v11 =	vor.u32 v2, v63;
	v62 =	vld.idx.msk [tilespmem:v4+s14+$0x0], $0xffff  }
0x88: {  	v12 =	vor.u32 v3, v63;
	v4 =	vld.idx.msk [tilespmem:v6+s14+$0x0], $0xffff  }
0x89: {  	v6 =	vor.u32 v3, v5;
	v8 =	vld.idx.msk [tilespmem:v8+s15+$0x0], $0xffff  }
0x8a: {  	v9 =	vld.idx.msk [tilespmem:v9+s15+$0x0], $0xffff  }
0x8b: {  	v5 =	vld.idx.msk [tilespmem:v10+s14+$0x0], $0xffff  }
0x8c: {  	v10 =	vld.idx.msk [tilespmem:v11+s15+$0x0], $0xffff  }
0x8d: {  	v11 =	vld.idx.msk [tilespmem:v12+s15+$0x0], $0xffff  }
0x8e: {  	v6 =	vld.idx.msk [tilespmem:v6+s14+$0x0], $0xffff  }
0x8f: {  	v8 =	vmul.f32 v8, v62;
	v9 =	vmul.f32 v9, v4;
	_ =	sdelay $0x1  }
0x90: {  	v8 =	vadd.f32 v9, v8;
	v9 =	vmul.f32 v10, v5;
	_ =	sdelay $0x1  }
0x91: {  	v8 =	vadd.f32 v9, v8;
	v9 =	vmul.f32 v11, v6;
	_ =	sdelay $0x1  }
0x92: {  	v8 =	vadd.f32 v9, v8;
	_ =	sdelay $0x1  }
0x93: {  	(xrf2) =	vadd.scan.msk.f32 $0xffff, v8;
	_ =	sdelay $0x1  }
0x94: {  	v8 =	vld [tilespmem:$0x1FF70];
	_ =	sdelay $0x4  }
0x95: {  	v8 =	vadd.s32 v8, v63  }
0x96: {  	v9 =	vadd.s32 v14, v63;
	_ =	sdelay $0x1  }
0x97: {  	v11 =	vadd.s32 v15, v63;
	v10, _, _ =	vpop (xrf2)  }
0x98: {  	[tilespmem:v7+s16+$0x0] =	vst.idx.msk vm0, v10  }
0x99: {  	v10 =	vadd.s32 v16, v63;
	v8 =	vld.idx.msk [tilespmem:v8+s15+$0x0], $0xffff  }
0x9a: {  	v9 =	vld.idx.msk [tilespmem:v9+s15+$0x0], $0xffff;
	_ =	sdelay $0x1  }
0x9b: {  	v11 =	vld.idx.msk [tilespmem:v11+s15+$0x0], $0xffff;
	_ =	sdelay $0x1  }
0x9c: {  	v10 =	vld.idx.msk [tilespmem:v10+s15+$0x0], $0xffff  }
0x9d: {  	v8 =	vmul.f32 v8, v62;
	v9 =	vmul.f32 v9, v4;
	_ =	sdelay $0x1  }
0x9e: {  	v8 =	vadd.f32 v9, v8;
	v9 =	vmul.f32 v11, v5;
	_ =	sdelay $0x1  }
0x9f: {  	v8 =	vadd.f32 v9, v8;
	v9 =	vmul.f32 v10, v6;
	_ =	sdelay $0x1  }
0xa0: {  	v8 =	vadd.f32 v9, v8;
	_ =	sdelay $0x1  }
0xa1: {  	(xrf2) =	vadd.scan.msk.f32 $0xffff, v8;
	_ =	sdelay $0x6  }
0xa2: {  	v7 =	vmul.u32 $0x14, v7;
	_ =	sdelay $0x1  }
0xa3: {  	v8 =	vadd.s32 v17, v63  }
0xa4: {  	v10 =	vadd.s32 v18, v63;
	v9, _, _ =	vpop (xrf2)  }
0xa5: {  	v9 =	vsub.f32 $0.0e+00, v9  }
0xa6: {  	v11 =	vadd.s32 v19, v63  }
0xa7: {  	[tilespmem:v7+s17+$0x0] =	vst.idx.msk vm0, v9  }
0xa8: {  	v9 =	vadd.s32 v20, v63;
	v8 =	vld.idx.msk [tilespmem:v8+s15+$0x0], $0xffff  }
0xa9: {  	v10 =	vld.idx.msk [tilespmem:v10+s15+$0x0], $0xffff;
	_ =	sdelay $0x1  }
0xaa: {  	v11 =	vld.idx.msk [tilespmem:v11+s15+$0x0], $0xffff;
	_ =	sdelay $0x1  }
0xab: {  	v9 =	vld.idx.msk [tilespmem:v9+s15+$0x0], $0xffff  }
0xac: {  	v8 =	vmul.f32 v8, v62;
	v10 =	vmul.f32 v10, v4;
	_ =	sdelay $0x1  }
0xad: {  	v8 =	vadd.f32 v10, v8;
	v10 =	vmul.f32 v11, v5;
	_ =	sdelay $0x1  }
0xae: {  	v8 =	vadd.f32 v10, v8;
	v9 =	vmul.f32 v9, v6;
	_ =	sdelay $0x1  }
0xaf: {  	v8 =	vadd.f32 v9, v8;
	_ =	sdelay $0x1  }
0xb0: {  	(xrf2) =	vadd.scan.msk.f32 $0xffff, v8;
	_ =	sdelay $0x7  }
0xb1: {  	v8 =	vor.u32 $0x1, v7  }
0xb2: {  	v9 =	vadd.s32 v21, v63  }
0xb3: {  	v11 =	vadd.s32 v22, v63;
	v10, _, _ =	vpop (xrf2)  }
0xb4: {  	v10 =	vsub.f32 $0.0e+00, v10  }
0xb5: {  	v12 =	vadd.s32 v23, v63  }
0xb6: {  	[tilespmem:v8+s17+$0x0] =	vst.idx.msk vm0, v10  }
0xb7: {  	v8 =	vld.idx.msk [tilespmem:v9+s15+$0x0], $0xffff;
	v9 =	vadd.s32 v24, v63  }
0xb8: {  	v10 =	vld.idx.msk [tilespmem:v11+s15+$0x0], $0xffff;
	_ =	sdelay $0x1  }
0xb9: {  	v11 =	vld.idx.msk [tilespmem:v12+s15+$0x0], $0xffff;
	_ =	sdelay $0x1  }
0xba: {  	v9 =	vld.idx.msk [tilespmem:v9+s15+$0x0], $0xffff  }
0xbb: {  	v8 =	vmul.f32 v8, v62;
	v10 =	vmul.f32 v10, v4;
	_ =	sdelay $0x1  }
0xbc: {  	v8 =	vadd.f32 v10, v8;
	v10 =	vmul.f32 v11, v5;
	_ =	sdelay $0x1  }
0xbd: {  	v8 =	vadd.f32 v10, v8;
	v9 =	vmul.f32 v9, v6;
	_ =	sdelay $0x1  }
0xbe: {  	v8 =	vadd.f32 v9, v8;
	_ =	sdelay $0x1  }
0xbf: {  	(xrf2) =	vadd.scan.msk.f32 $0xffff, v8;
	_ =	sdelay $0x7  }
0xc0: {  	v8 =	vor.u32 $0x2, v7  }
0xc1: {  	v9 =	vadd.s32 v25, v63  }
0xc2: {  	v11 =	vadd.s32 v26, v63;
	v10, _, _ =	vpop (xrf2)  }
0xc3: {  	v10 =	vsub.f32 $0.0e+00, v10  }
0xc4: {  	v12 =	vadd.s32 v27, v63  }
0xc5: {  	[tilespmem:v8+s17+$0x0] =	vst.idx.msk vm0, v10  }
0xc6: {  	v8 =	vld.idx.msk [tilespmem:v9+s15+$0x0], $0xffff;
	v9 =	vadd.s32 v28, v63  }
0xc7: {  	v10 =	vld.idx.msk [tilespmem:v11+s15+$0x0], $0xffff;
	_ =	sdelay $0x1  }
0xc8: {  	v11 =	vld.idx.msk [tilespmem:v12+s15+$0x0], $0xffff;
	_ =	sdelay $0x1  }
0xc9: {  	v9 =	vld.idx.msk [tilespmem:v9+s15+$0x0], $0xffff  }
0xca: {  	v8 =	vmul.f32 v8, v62;
	v10 =	vmul.f32 v10, v4;
	_ =	sdelay $0x1  }
0xcb: {  	v8 =	vadd.f32 v10, v8;
	v10 =	vmul.f32 v11, v5;
	_ =	sdelay $0x1  }
0xcc: {  	v8 =	vadd.f32 v10, v8;
	v9 =	vmul.f32 v9, v6;
	_ =	sdelay $0x1  }
0xcd: {  	v8 =	vadd.f32 v9, v8;
	_ =	sdelay $0x1  }
0xce: {  	(xrf2) =	vadd.scan.msk.f32 $0xffff, v8;
	_ =	sdelay $0x7  }
0xcf: {  	v8 =	vor.u32 $0x3, v7  }
0xd0: {  	v9 =	vadd.s32 v29, v63  }
0xd1: {  	v11 =	vadd.s32 v30, v63;
	v10, _, _ =	vpop (xrf2)  }
0xd2: {  	v10 =	vsub.f32 $0.0e+00, v10  }
0xd3: {  	v12 =	vadd.s32 v31, v63  }
0xd4: {  	[tilespmem:v8+s17+$0x0] =	vst.idx.msk vm0, v10  }
0xd5: {  	v8 =	vld.idx.msk [tilespmem:v9+s15+$0x0], $0xffff;
	v9 =	vadd.s32 v32, v63  }
0xd6: {  	v10 =	vld.idx.msk [tilespmem:v11+s15+$0x0], $0xffff;
	_ =	sdelay $0x1  }
0xd7: {  	v11 =	vld.idx.msk [tilespmem:v12+s15+$0x0], $0xffff;
	_ =	sdelay $0x1  }
0xd8: {  	v9 =	vld.idx.msk [tilespmem:v9+s15+$0x0], $0xffff  }
0xd9: {  	v8 =	vmul.f32 v8, v62;
	v10 =	vmul.f32 v10, v4;
	_ =	sdelay $0x1  }
0xda: {  	v8 =	vadd.f32 v10, v8;
	v10 =	vmul.f32 v11, v5;
	_ =	sdelay $0x1  }
0xdb: {  	v8 =	vadd.f32 v10, v8;
	v9 =	vmul.f32 v9, v6;
	_ =	sdelay $0x1  }
0xdc: {  	v8 =	vadd.f32 v9, v8;
	_ =	sdelay $0x1  }
0xdd: {  	(xrf2) =	vadd.scan.msk.f32 $0xffff, v8;
	_ =	sdelay $0x7  }
0xde: {  	v8 =	vadd.s32 $0x4, v7  }
0xdf: {  	v9 =	vadd.s32 v33, v63  }
0xe0: {  	v11 =	vadd.s32 v34, v63;
	v10, _, _ =	vpop (xrf2)  }
0xe1: {  	v10 =	vsub.f32 $0.0e+00, v10  }
0xe2: {  	v12 =	vadd.s32 v35, v63  }
0xe3: {  	[tilespmem:v8+s17+$0x0] =	vst.idx.msk vm0, v10  }
0xe4: {  	v8 =	vld.idx.msk [tilespmem:v9+s15+$0x0], $0xffff;
	v9 =	vadd.s32 v36, v63  }
0xe5: {  	v10 =	vld.idx.msk [tilespmem:v11+s15+$0x0], $0xffff;
	_ =	sdelay $0x1  }
0xe6: {  	v11 =	vld.idx.msk [tilespmem:v12+s15+$0x0], $0xffff;
	_ =	sdelay $0x1  }
0xe7: {  	v9 =	vld.idx.msk [tilespmem:v9+s15+$0x0], $0xffff  }
0xe8: {  	v8 =	vmul.f32 v8, v62;
	v10 =	vmul.f32 v10, v4;
	_ =	sdelay $0x1  }
0xe9: {  	v8 =	vadd.f32 v10, v8;
	v10 =	vmul.f32 v11, v5;
	_ =	sdelay $0x1  }
0xea: {  	v8 =	vadd.f32 v10, v8;
	v9 =	vmul.f32 v9, v6;
	_ =	sdelay $0x1  }
0xeb: {  	v8 =	vadd.f32 v9, v8;
	_ =	sdelay $0x1  }
0xec: {  	(xrf2) =	vadd.scan.msk.f32 $0xffff, v8;
	_ =	sdelay $0x7  }
0xed: {  	v8 =	vadd.s32 $0x5, v7  }
0xee: {  	v9 =	vadd.s32 v37, v63  }
0xef: {  	v11 =	vadd.s32 v38, v63;
	v10, _, _ =	vpop (xrf2)  }
0xf0: {  	v10 =	vsub.f32 $0.0e+00, v10  }
0xf1: {  	v12 =	vadd.s32 v39, v63  }
0xf2: {  	[tilespmem:v8+s17+$0x0] =	vst.idx.msk vm0, v10  }
0xf3: {  	v8 =	vld.idx.msk [tilespmem:v9+s15+$0x0], $0xffff;
	v9 =	vadd.s32 v40, v63  }
0xf4: {  	v10 =	vld.idx.msk [tilespmem:v11+s15+$0x0], $0xffff;
	_ =	sdelay $0x1  }
0xf5: {  	v11 =	vld.idx.msk [tilespmem:v12+s15+$0x0], $0xffff;
	_ =	sdelay $0x1  }
0xf6: {  	v9 =	vld.idx.msk [tilespmem:v9+s15+$0x0], $0xffff  }
0xf7: {  	v8 =	vmul.f32 v8, v62;
	v10 =	vmul.f32 v10, v4;
	_ =	sdelay $0x1  }
0xf8: {  	v8 =	vadd.f32 v10, v8;
	v10 =	vmul.f32 v11, v5;
	_ =	sdelay $0x1  }
0xf9: {  	v8 =	vadd.f32 v10, v8;
	v9 =	vmul.f32 v9, v6;
	_ =	sdelay $0x1  }
0xfa: {  	v8 =	vadd.f32 v9, v8;
	_ =	sdelay $0x1  }
0xfb: {  	(xrf2) =	vadd.scan.msk.f32 $0xffff, v8;
	_ =	sdelay $0x7  }
0xfc: {  	v8 =	vadd.s32 $0x6, v7  }
0xfd: {  	v9 =	vadd.s32 v41, v63  }
0xfe: {  	v11 =	vadd.s32 v42, v63;
	v10, _, _ =	vpop (xrf2)  }
0xff: {  	v10 =	vsub.f32 $0.0e+00, v10  }
0x100: {  	v12 =	vadd.s32 v43, v63  }
0x101: {  	[tilespmem:v8+s17+$0x0] =	vst.idx.msk vm0, v10  }
0x102: {  	v8 =	vld.idx.msk [tilespmem:v9+s15+$0x0], $0xffff;
	v9 =	vadd.s32 v44, v63  }
0x103: {  	v10 =	vld.idx.msk [tilespmem:v11+s15+$0x0], $0xffff;
	_ =	sdelay $0x1  }
0x104: {  	v11 =	vld.idx.msk [tilespmem:v12+s15+$0x0], $0xffff;
	_ =	sdelay $0x1  }
0x105: {  	v9 =	vld.idx.msk [tilespmem:v9+s15+$0x0], $0xffff  }
0x106: {  	v8 =	vmul.f32 v8, v62;
	v10 =	vmul.f32 v10, v4;
	_ =	sdelay $0x1  }
0x107: {  	v8 =	vadd.f32 v10, v8;
	v10 =	vmul.f32 v11, v5;
	_ =	sdelay $0x1  }
0x108: {  	v8 =	vadd.f32 v10, v8;
	v9 =	vmul.f32 v9, v6;
	_ =	sdelay $0x1  }
0x109: {  	v8 =	vadd.f32 v9, v8;
	_ =	sdelay $0x1  }
0x10a: {  	(xrf2) =	vadd.scan.msk.f32 $0xffff, v8;
	_ =	sdelay $0x7  }
0x10b: {  	v8 =	vadd.s32 $0x7, v7  }
0x10c: {  	v9 =	vadd.s32 v45, v63  }
0x10d: {  	v11 =	vadd.s32 v46, v63;
	v10, _, _ =	vpop (xrf2)  }
0x10e: {  	v10 =	vsub.f32 $0.0e+00, v10  }
0x10f: {  	v12 =	vadd.s32 v47, v63  }
0x110: {  	[tilespmem:v8+s17+$0x0] =	vst.idx.msk vm0, v10  }
0x111: {  	v8 =	vld.idx.msk [tilespmem:v9+s15+$0x0], $0xffff;
	v9 =	vadd.s32 v48, v63  }
0x112: {  	v10 =	vld.idx.msk [tilespmem:v11+s15+$0x0], $0xffff;
	_ =	sdelay $0x1  }
0x113: {  	v11 =	vld.idx.msk [tilespmem:v12+s15+$0x0], $0xffff;
	_ =	sdelay $0x1  }
0x114: {  	v9 =	vld.idx.msk [tilespmem:v9+s15+$0x0], $0xffff  }
0x115: {  	v8 =	vmul.f32 v8, v62;
	v10 =	vmul.f32 v10, v4;
	_ =	sdelay $0x1  }
0x116: {  	v8 =	vadd.f32 v10, v8;
	v10 =	vmul.f32 v11, v5;
	_ =	sdelay $0x1  }
0x117: {  	v8 =	vadd.f32 v10, v8;
	v9 =	vmul.f32 v9, v6;
	_ =	sdelay $0x1  }
0x118: {  	v8 =	vadd.f32 v9, v8;
	_ =	sdelay $0x1  }
0x119: {  	(xrf2) =	vadd.scan.msk.f32 $0xffff, v8;
	_ =	sdelay $0x7  }
0x11a: {  	v8 =	vadd.s32 $0x8, v7  }
0x11b: {  	v9 =	vadd.s32 v49, v63  }
0x11c: {  	v11 =	vadd.s32 v50, v63;
	v10, _, _ =	vpop (xrf2)  }
0x11d: {  	v10 =	vsub.f32 $0.0e+00, v10  }
0x11e: {  	v12 =	vadd.s32 v51, v63  }
0x11f: {  	[tilespmem:v8+s17+$0x0] =	vst.idx.msk vm0, v10  }
0x120: {  	v8 =	vld.idx.msk [tilespmem:v9+s15+$0x0], $0xffff;
	v9 =	vadd.s32 v52, v63  }
0x121: {  	v10 =	vld.idx.msk [tilespmem:v11+s15+$0x0], $0xffff;
	_ =	sdelay $0x1  }
0x122: {  	v11 =	vld.idx.msk [tilespmem:v12+s15+$0x0], $0xffff;
	_ =	sdelay $0x1  }
0x123: {  	v9 =	vld.idx.msk [tilespmem:v9+s15+$0x0], $0xffff  }
0x124: {  	v8 =	vmul.f32 v8, v62;
	v10 =	vmul.f32 v10, v4;
	_ =	sdelay $0x1  }
0x125: {  	v8 =	vadd.f32 v10, v8;
	v10 =	vmul.f32 v11, v5;
	_ =	sdelay $0x1  }
0x126: {  	v8 =	vadd.f32 v10, v8;
	v9 =	vmul.f32 v9, v6;
	_ =	sdelay $0x1  }
0x127: {  	v8 =	vadd.f32 v9, v8;
	_ =	sdelay $0x1  }
0x128: {  	(xrf2) =	vadd.scan.msk.f32 $0xffff, v8;
	_ =	sdelay $0x7  }
0x129: {  	v8 =	vadd.s32 $0x9, v7  }
0x12a: {  	v9 =	vadd.s32 v53, v63  }
0x12b: {  	v11 =	vadd.s32 v54, v63;
	v10, _, _ =	vpop (xrf2)  }
0x12c: {  	v10 =	vsub.f32 $0.0e+00, v10  }
0x12d: {  	v12 =	vadd.s32 v55, v63  }
0x12e: {  	[tilespmem:v8+s17+$0x0] =	vst.idx.msk vm0, v10  }
0x12f: {  	v8 =	vld.idx.msk [tilespmem:v9+s15+$0x0], $0xffff;
	v9 =	vadd.s32 v56, v63  }
0x130: {  	v10 =	vld.idx.msk [tilespmem:v11+s15+$0x0], $0xffff;
	_ =	sdelay $0x1  }
0x131: {  	v11 =	vld.idx.msk [tilespmem:v12+s15+$0x0], $0xffff;
	_ =	sdelay $0x1  }
0x132: {  	v9 =	vld.idx.msk [tilespmem:v9+s15+$0x0], $0xffff  }
0x133: {  	v8 =	vmul.f32 v8, v62;
	v10 =	vmul.f32 v10, v4;
	_ =	sdelay $0x1  }
0x134: {  	v8 =	vadd.f32 v10, v8;
	v10 =	vmul.f32 v11, v5;
	_ =	sdelay $0x1  }
0x135: {  	v8 =	vadd.f32 v10, v8;
	v9 =	vmul.f32 v9, v6;
	_ =	sdelay $0x1  }
0x136: {  	v8 =	vadd.f32 v9, v8;
	_ =	sdelay $0x1  }
0x137: {  	(xrf2) =	vadd.scan.msk.f32 $0xffff, v8;
	_ =	sdelay $0x7  }
0x138: {  	v8 =	vadd.s32 $0xA, v7  }
0x139: {  	v9 =	vadd.s32 v57, v63  }
0x13a: {  	v11 =	vadd.s32 v58, v63;
	v10, _, _ =	vpop (xrf2)  }
0x13b: {  	v10 =	vsub.f32 $0.0e+00, v10  }
0x13c: {  	v12 =	vadd.s32 v59, v63  }
0x13d: {  	[tilespmem:v8+s17+$0x0] =	vst.idx.msk vm0, v10  }
0x13e: {  	v8 =	vld.idx.msk [tilespmem:v9+s15+$0x0], $0xffff;
	v9 =	vadd.s32 v60, v63  }
0x13f: {  	v10 =	vld.idx.msk [tilespmem:v11+s15+$0x0], $0xffff;
	_ =	sdelay $0x1  }
0x140: {  	v11 =	vld.idx.msk [tilespmem:v12+s15+$0x0], $0xffff;
	_ =	sdelay $0x1  }
0x141: {  	v9 =	vld.idx.msk [tilespmem:v9+s15+$0x0], $0xffff  }
0x142: {  	v8 =	vmul.f32 v8, v62;
	v10 =	vmul.f32 v10, v4;
	_ =	sdelay $0x1  }
0x143: {  	v8 =	vadd.f32 v10, v8;
	v10 =	vmul.f32 v11, v5;
	_ =	sdelay $0x1  }
0x144: {  	v8 =	vadd.f32 v10, v8;
	v9 =	vmul.f32 v9, v6;
	_ =	sdelay $0x1  }
0x145: {  	v8 =	vadd.f32 v9, v8;
	_ =	sdelay $0x1  }
0x146: {  	(xrf2) =	vadd.scan.msk.f32 $0xffff, v8;
	_ =	sdelay $0x7  }
0x147: {  	v8 =	vadd.s32 $0xB, v7  }
0x148: {  	v9 =	vadd.s32 v61, v63  }
0x149: {  	v10, _, _ =	vpop (xrf2)  }
0x14a: {  	v11 =	vld [tilespmem:$0x1FF80];
	v10 =	vsub.f32 $0.0e+00, v10;
	_ =	sdelay $0x1  }
0x14b: {  	v12 =	vld [tilespmem:$0x1FF90];
	[tilespmem:v8+s17+$0x0] =	vst.idx.msk vm0, v10  }
0x14c: {  	v8 =	vld.idx.msk [tilespmem:v9+s15+$0x0], $0xffff  }
0x14d: {  	v9 =	vld [tilespmem:$0x1FFA0]  }
0x14e: {  	v11 =	vadd.s32 v11, v63;
	_ =	sdelay $0x1  }
0x14f: {  	v12 =	vadd.s32 v12, v63;
	_ =	sdelay $0x1  }
0x150: {  	v9 =	vadd.s32 v9, v63  }
0x151: {  	v10 =	vld.idx.msk [tilespmem:v11+s15+$0x0], $0xffff;
	_ =	sdelay $0x1  }
0x152: {  	v11 =	vld.idx.msk [tilespmem:v12+s15+$0x0], $0xffff;
	_ =	sdelay $0x1  }
0x153: {  	v9 =	vld.idx.msk [tilespmem:v9+s15+$0x0], $0xffff  }
0x154: {  	v8 =	vmul.f32 v8, v62;
	v10 =	vmul.f32 v10, v4;
	_ =	sdelay $0x1  }
0x155: {  	v8 =	vadd.f32 v10, v8;
	v10 =	vmul.f32 v11, v5;
	_ =	sdelay $0x1  }
0x156: {  	v8 =	vadd.f32 v10, v8;
	v9 =	vmul.f32 v9, v6;
	_ =	sdelay $0x1  }
0x157: {  	v8 =	vadd.f32 v9, v8;
	_ =	sdelay $0x1  }
0x158: {  	(xrf2) =	vadd.scan.msk.f32 $0xffff, v8;
	_ =	sdelay $0x3  }
0x159: {  	v9 =	vld [tilespmem:$0x1FFB0];
	_ =	sdelay $0x3  }
0x15a: {  	v8 =	vadd.s32 $0xC, v7  }
0x15b: {  	v9 =	vadd.s32 v9, v63  }
0x15c: {  	v10, _, _ =	vpop (xrf2)  }
0x15d: {  	v11 =	vld [tilespmem:$0x1FFC0];
	v10 =	vsub.f32 $0.0e+00, v10;
	_ =	sdelay $0x1  }
0x15e: {  	v12 =	vld [tilespmem:$0x1FFD0];
	[tilespmem:v8+s17+$0x0] =	vst.idx.msk vm0, v10  }
0x15f: {  	v8 =	vld.idx.msk [tilespmem:v9+s15+$0x0], $0xffff  }
0x160: {  	v9 =	vld [tilespmem:$0x1FFE0]  }
0x161: {  	v11 =	vadd.s32 v11, v63;
	_ =	sdelay $0x1  }
0x162: {  	v12 =	vadd.s32 v12, v63;
	_ =	sdelay $0x1  }
0x163: {  	v9 =	vadd.s32 v9, v63  }
0x164: {  	v10 =	vld.idx.msk [tilespmem:v11+s15+$0x0], $0xffff;
	_ =	sdelay $0x1  }
0x165: {  	v11 =	vld.idx.msk [tilespmem:v12+s15+$0x0], $0xffff;
	_ =	sdelay $0x1  }
0x166: {  	v9 =	vld.idx.msk [tilespmem:v9+s15+$0x0], $0xffff  }
0x167: {  	v8 =	vmul.f32 v8, v62;
	v10 =	vmul.f32 v10, v4;
	_ =	sdelay $0x1  }
0x168: {  	v8 =	vadd.f32 v10, v8;
	v10 =	vmul.f32 v11, v5;
	_ =	sdelay $0x1  }
0x169: {  	v8 =	vadd.f32 v10, v8;
	v9 =	vmul.f32 v9, v6;
	_ =	sdelay $0x1  }
0x16a: {  	v8 =	vadd.f32 v9, v8;
	_ =	sdelay $0x1  }
0x16b: {  	(xrf2) =	vadd.scan.msk.f32 $0xffff, v8;
	_ =	sdelay $0x3  }
0x16c: {  	v9 =	vld [tilespmem:$0x1FFF0];
	_ =	sdelay $0x3  }
0x16d: {  	v8 =	vadd.s32 $0xD, v7  }
0x16e: {  	v9 =	vadd.s32 v9, v63  }
0x16f: {  	v11 =	vadd.s32 v13, v63;
	v10, _, _ =	vpop (xrf2)  }
0x170: {  	v12 =	vor.u32 $0x7A0, v0;
	v10 =	vsub.f32 $0.0e+00, v10  }
0x171: {  	v12 =	vadd.s32 v12, v63  }
0x172: {  	[tilespmem:v8+s17+$0x0] =	vst.idx.msk vm0, v10;
	v8 =	vor.u32 $0x7B0, v0  }
0x173: {  	v9 =	vld.idx.msk [tilespmem:v9+s15+$0x0], $0xffff;
	v8 =	vadd.s32 v8, v63  }
0x174: {  	v10 =	vld.idx.msk [tilespmem:v11+s15+$0x0], $0xffff;
	_ =	sdelay $0x1  }
0x175: {  	v11 =	vld.idx.msk [tilespmem:v12+s15+$0x0], $0xffff;
	_ =	sdelay $0x1  }
0x176: {  	v8 =	vld.idx.msk [tilespmem:v8+s15+$0x0], $0xffff  }
0x177: {  	v9 =	vmul.f32 v9, v62;
	v10 =	vmul.f32 v10, v4;
	_ =	sdelay $0x1  }
0x178: {  	v9 =	vadd.f32 v10, v9;
	v10 =	vmul.f32 v11, v5;
	_ =	sdelay $0x1  }
0x179: {  	v9 =	vadd.f32 v10, v9;
	v8 =	vmul.f32 v8, v6;
	_ =	sdelay $0x1  }
0x17a: {  	v8 =	vadd.f32 v8, v9;
	_ =	sdelay $0x1  }
0x17b: {  	(xrf2) =	vadd.scan.msk.f32 $0xffff, v8;
	_ =	sdelay $0x7  }
0x17c: {  	v9 =	vor.u32 $0x800, v0;
	v8 =	vadd.s32 $0xE, v7  }
0x17d: {  	v10 =	vor.u32 $0x810, v0;
	v9 =	vadd.s32 v9, v63  }
0x17e: {  	v10 =	vadd.s32 v10, v63;
	v11, _, _ =	vpop (xrf2)  }
0x17f: {  	v12 =	vor.u32 $0x820, v0;
	v11 =	vsub.f32 $0.0e+00, v11  }
0x180: {  	v12 =	vadd.s32 v12, v63  }
0x181: {  	[tilespmem:v8+s17+$0x0] =	vst.idx.msk vm0, v11;
	v8 =	vor.u32 $0x830, v0  }
0x182: {  	v9 =	vld.idx.msk [tilespmem:v9+s15+$0x0], $0xffff;
	v8 =	vadd.s32 v8, v63  }
0x183: {  	v10 =	vld.idx.msk [tilespmem:v10+s15+$0x0], $0xffff;
	_ =	sdelay $0x1  }
0x184: {  	v11 =	vld.idx.msk [tilespmem:v12+s15+$0x0], $0xffff;
	_ =	sdelay $0x1  }
0x185: {  	v8 =	vld.idx.msk [tilespmem:v8+s15+$0x0], $0xffff  }
0x186: {  	v9 =	vmul.f32 v9, v62;
	v10 =	vmul.f32 v10, v4;
	_ =	sdelay $0x1  }
0x187: {  	v9 =	vadd.f32 v10, v9;
	v10 =	vmul.f32 v11, v5;
	_ =	sdelay $0x1  }
0x188: {  	v9 =	vadd.f32 v10, v9;
	v8 =	vmul.f32 v8, v6;
	_ =	sdelay $0x1  }
0x189: {  	v8 =	vadd.f32 v8, v9;
	_ =	sdelay $0x1  }
0x18a: {  	(xrf2) =	vadd.scan.msk.f32 $0xffff, v8;
	_ =	sdelay $0x7  }
0x18b: {  	v9 =	vor.u32 $0x880, v0;
	v8 =	vadd.s32 $0xF, v7  }
0x18c: {  	v10 =	vor.u32 $0x890, v0;
	v9 =	vadd.s32 v9, v63  }
0x18d: {  	v10 =	vadd.s32 v10, v63;
	v11, _, _ =	vpop (xrf2)  }
0x18e: {  	v12 =	vor.u32 $0x8A0, v0;
	v11 =	vsub.f32 $0.0e+00, v11  }
0x18f: {  	v12 =	vadd.s32 v12, v63  }
0x190: {  	[tilespmem:v8+s17+$0x0] =	vst.idx.msk vm0, v11;
	v8 =	vor.u32 $0x8B0, v0  }
0x191: {  	v9 =	vld.idx.msk [tilespmem:v9+s15+$0x0], $0xffff;
	v8 =	vadd.s32 v8, v63  }
0x192: {  	v10 =	vld.idx.msk [tilespmem:v10+s15+$0x0], $0xffff;
	_ =	sdelay $0x1  }
0x193: {  	v11 =	vld.idx.msk [tilespmem:v12+s15+$0x0], $0xffff;
	_ =	sdelay $0x1  }
0x194: {  	v8 =	vld.idx.msk [tilespmem:v8+s15+$0x0], $0xffff  }
0x195: {  	v9 =	vmul.f32 v9, v62;
	v10 =	vmul.f32 v10, v4;
	_ =	sdelay $0x1  }
0x196: {  	v9 =	vadd.f32 v10, v9;
	v10 =	vmul.f32 v11, v5;
	_ =	sdelay $0x1  }
0x197: {  	v9 =	vadd.f32 v10, v9;
	v8 =	vmul.f32 v8, v6;
	_ =	sdelay $0x1  }
0x198: {  	v8 =	vadd.f32 v8, v9;
	_ =	sdelay $0x1  }
0x199: {  	(xrf2) =	vadd.scan.msk.f32 $0xffff, v8;
	_ =	sdelay $0x7  }
0x19a: {  	v9 =	vor.u32 $0x900, v0;
	v8 =	vadd.s32 $0x10, v7  }
0x19b: {  	v10 =	vor.u32 $0x910, v0;
	v9 =	vadd.s32 v9, v63  }
0x19c: {  	v10 =	vadd.s32 v10, v63;
	v11, _, _ =	vpop (xrf2)  }
0x19d: {  	v12 =	vor.u32 $0x920, v0;
	v11 =	vsub.f32 $0.0e+00, v11  }
0x19e: {  	v12 =	vadd.s32 v12, v63  }
0x19f: {  	[tilespmem:v8+s17+$0x0] =	vst.idx.msk vm0, v11;
	v8 =	vor.u32 $0x930, v0  }
0x1a0: {  	v9 =	vld.idx.msk [tilespmem:v9+s15+$0x0], $0xffff;
	v8 =	vadd.s32 v8, v63  }
0x1a1: {  	v10 =	vld.idx.msk [tilespmem:v10+s15+$0x0], $0xffff;
	_ =	sdelay $0x1  }
0x1a2: {  	v11 =	vld.idx.msk [tilespmem:v12+s15+$0x0], $0xffff;
	_ =	sdelay $0x1  }
0x1a3: {  	v8 =	vld.idx.msk [tilespmem:v8+s15+$0x0], $0xffff  }
0x1a4: {  	v9 =	vmul.f32 v9, v62;
	v10 =	vmul.f32 v10, v4;
	_ =	sdelay $0x1  }
0x1a5: {  	v9 =	vadd.f32 v10, v9;
	v10 =	vmul.f32 v11, v5;
	_ =	sdelay $0x1  }
0x1a6: {  	v9 =	vadd.f32 v10, v9;
	v8 =	vmul.f32 v8, v6;
	_ =	sdelay $0x1  }
0x1a7: {  	v8 =	vadd.f32 v8, v9;
	_ =	sdelay $0x1  }
0x1a8: {  	(xrf2) =	vadd.scan.msk.f32 $0xffff, v8;
	_ =	sdelay $0x7  }
0x1a9: {  	v9 =	vor.u32 $0x980, v0;
	v8 =	vadd.s32 $0x11, v7  }
0x1aa: {  	v10 =	vor.u32 $0x990, v0;
	v9 =	vadd.s32 v9, v63  }
0x1ab: {  	v10 =	vadd.s32 v10, v63;
	v11, _, _ =	vpop (xrf2)  }
0x1ac: {  	v12 =	vor.u32 $0x9A0, v0;
	v11 =	vsub.f32 $0.0e+00, v11  }
0x1ad: {  	v12 =	vadd.s32 v12, v63  }
0x1ae: {  	[tilespmem:v8+s17+$0x0] =	vst.idx.msk vm0, v11;
	v8 =	vor.u32 $0x9B0, v0  }
0x1af: {  	v9 =	vld.idx.msk [tilespmem:v9+s15+$0x0], $0xffff;
	v8 =	vadd.s32 v8, v63  }
0x1b0: {  	v10 =	vld.idx.msk [tilespmem:v10+s15+$0x0], $0xffff;
	_ =	sdelay $0x1  }
0x1b1: {  	v11 =	vld.idx.msk [tilespmem:v12+s15+$0x0], $0xffff;
	_ =	sdelay $0x1  }
0x1b2: {  	v8 =	vld.idx.msk [tilespmem:v8+s15+$0x0], $0xffff  }
0x1b3: {  	v9 =	vmul.f32 v9, v62;
	v10 =	vmul.f32 v10, v4;
	_ =	sdelay $0x1  }
0x1b4: {  	v9 =	vadd.f32 v10, v9;
	v10 =	vmul.f32 v11, v5;
	_ =	sdelay $0x1  }
0x1b5: {  	v9 =	vadd.f32 v10, v9;
	v8 =	vmul.f32 v8, v6;
	_ =	sdelay $0x1  }
0x1b6: {  	v8 =	vadd.f32 v8, v9;
	_ =	sdelay $0x1  }
0x1b7: {  	(xrf2) =	vadd.scan.msk.f32 $0xffff, v8;
	_ =	sdelay $0x7  }
0x1b8: {  	v9 =	vor.u32 $0xA00, v0;
	v8 =	vadd.s32 $0x12, v7  }
0x1b9: {  	v10 =	vor.u32 $0xA10, v0;
	v9 =	vadd.s32 v9, v63  }
0x1ba: {  	v10 =	vadd.s32 v10, v63;
	v11, _, _ =	vpop (xrf2)  }
0x1bb: {  	v12 =	vor.u32 $0xA20, v0;
	v11 =	vsub.f32 $0.0e+00, v11  }
0x1bc: {  	v12 =	vadd.s32 v12, v63  }
0x1bd: {  	[tilespmem:v8+s17+$0x0] =	vst.idx.msk vm0, v11;
	v8 =	vor.u32 $0xA30, v0  }
0x1be: {  	v8 =	vadd.s32 v8, v63;
	v9 =	vld.idx.msk [tilespmem:v9+s15+$0x0], $0xffff  }
0x1bf: {  	v10 =	vld.idx.msk [tilespmem:v10+s15+$0x0], $0xffff;
	_ =	sdelay $0x1  }
0x1c0: {  	v11 =	vld.idx.msk [tilespmem:v12+s15+$0x0], $0xffff;
	_ =	sdelay $0x1  }
0x1c1: {  	v8 =	vld.idx.msk [tilespmem:v8+s15+$0x0], $0xffff  }
0x1c2: {  	v9 =	vmul.f32 v9, v62;
	v4 =	vmul.f32 v10, v4;
	_ =	sdelay $0x1  }
0x1c3: {  	v5 =	vmul.f32 v11, v5;
	v4 =	vadd.f32 v4, v9;
	_ =	sdelay $0x1  }
0x1c4: {  	v4 =	vadd.f32 v5, v4;
	v5 =	vmul.f32 v8, v6;
	_ =	sdelay $0x1  }
0x1c5: {  	v4 =	vadd.f32 v5, v4;
	_ =	sdelay $0x1  }
0x1c6: {  	(xrf2) =	vadd.scan.msk.f32 $0xffff, v4;
	_ =	sdelay $0x7  }
0x1c7: {  	p0 =	sne.s32 s22, $0x1F;
	v4 =	vadd.s32 $0x13, v7  }
.Ltmp2:
0x1c8: {  	_ = 	snop;
	(pc) =	sbr.rel @p0 .LBB2_7-.Ltmp2, $3  }
0x1c9: {  	v5, _, _ =	vpop (xrf2)  }
0x1ca: {  	v5 =	vsub.f32 $0.0e+00, v5;
	_ =	sdelay $0x1  }
0x1cb: {  	s22 =	sadd.s32 $0x1, s22;
	[tilespmem:v4+s17+$0x0] =	vst.idx.msk vm0, v5  }
0x1cc: {  	s21 =	sadd.s32 s3, s21;
	s20 =	smul.u32 $0x14, s20  }
0x1cd: {  	[hbm4b:s21+s4] =	stream.linear.scatter [tilespmem:s16], [sflag:$0x2], $0x20, $0x38;
	[tilespmem:$0x16680] =	vst v63  }
0x1ce: {  	s19 =	sadd.s32 $0x1, s19;
	_ =	swait.ge [sflag:s11], $0x20  }
0x1cf: {  	p0 =	sne.s32 s19, $0x10;
	s20 =	sshrl.u32 s20, $0x3;
	[sflag:s11] =	ssyncset.done $0x0  }
.Ltmp3:
0x1d0: {  	s20 =	sadd.s32 s8, s20;
	[sflag:s11] =	ssyncadd.s32 $0xFFFFFFE0;
	(pc) =	sbr.rel @p0 .LBB2_2-.Ltmp3, $4  }
0x1d1: {  	[hbm4b:s20+s4] =	stream.linear.scatter [tilespmem:s17], [sflag:$0x2], $0x280, $0x38;
	[tilespmem:$0x16680] =	vst v63  }
0x1d2: {  	_ =	swait.ge [sflag:s11], $0x280  }
0x1d3: {  	[sflag:s11] =	ssyncset.done $0x0  }
0x1d4: {  	[sflag:s11] =	ssyncadd.s32 $0xFFFFFD80  }
0x1d5: {  	s18 =	sadd.s32 $0x1, s18  }
0x1d6: {  	p0 =	sne.s32 s18, s10  }
.Ltmp4:
0x1d7: {  	_ = 	snop;
	(pc) =	sbr.rel @p0 .LBB2_1-.Ltmp4, $1  }
0x1d8: {  	_ =	sdelay $0x3  }
0x1d9: {  	_ =	sfence.sel $0x180000  }
0x1da: {  	[bflag:$0x0] =	sbarrier.arrive $0xFFFF  }
0x1db: {  	p0 =	sne.s32 s6, $0x0;
	_ =	strace $0x90000047  }
0x1dc: {  	s0 =	sadd.s32 @!p0 $0x100000, s2;
	[bflag:$0x2] =	sbarrier.arrive $0xFFFF  }
0x1dd: {  	[sflag:s0] =	ssyncadd.tile.s32 @!p0 $0x1;
	_ =	shalt  }
.Lfunc_end2:
_tile_overlayer_lowered:
.L_overlay_start_2:
0x1de: {  	(tag) =	ssettag $0x2  }
0x1df: {  	s0 =	rddreg [dreg:$0x0];
	s2 =	stileid.u32  }
0x1e0: {  	s1 =	rddreg [dreg:$0x1];
	p0 =	sne.s32 s2, $0x0  }
0x1e1: {  	s3 =	rddreg [dreg:$0x2];
	[bflag:$0x3] =	sbarrier.arrive $0xFFFF;
	s2 =	simm.s32 @!p0 $0x1C02  }
0x1e2: {  	[timem:s3], [sflag:s2] =	dma.local @!p0 [hbm:s0], s1  }
0x1e3: {  	s0 =	simm.s32 @!p0 $0x2  }
0x1e4: {  	_ =	swait.ge @!p0 [sflag:s0], s1  }
0x1e5: {  	s1 =	ssub.s32 @!p0 $0x0, s1;
	[sflag:s0] =	ssyncset.done @!p0 $0x0  }
0x1e6: {  	[sflag:s0] =	ssyncadd.s32 @!p0 s1  }
0x1e7: {  	[bflag:$0x3] =	sbarrier.arrive $0xFFFF  }
0x1e8: {  	_ =	shalt  }

</sc_bundles>
